<compile_context>
chip_gen: v7x
topology: tpu7x:2x2x1
jax: 0.10.2.dev20260603
libtpu: 0.0.44.dev20260713+nightly
codegen_flags: <defaults>
</compile_context>

<pallas_src>
import functools

import jax
import jax.numpy as jnp
import numpy as np
from jax import lax
from jax.experimental import pallas as pl
from jax.experimental.pallas import tpu as pltpu
from jax.experimental.pallas import tpu_sc as plsc

B, H, W, C = 4, 384, 384, 96
HP, WP = H // 2, W // 2
NWORK = 32
PAIRS_PER_W = (B * HP) // NWORK
TCOLS = W // 128
NCHUNK = PAIRS_PER_W * TCOLS

R2C = np.float32(1.0) / np.float32(2.0)
R3C = np.float32(1.0) / np.float32(3.0)
R4C = np.float32(1.0) / np.float32(4.0)
R5C = np.float32(1.0) / np.float32(5.0)


def _block_net(a, b, c, d, p):
    one = jnp.full((16,), 1.0, jnp.float32)
    zero = jnp.full((16,), 0.0, jnp.float32)
    two = jnp.full((16,), 2.0, jnp.float32)
    three = jnp.full((16,), 3.0, jnp.float32)
    xab = jnp.where(a >= b, one, zero)
    xac = jnp.where(a >= c, one, zero)
    xad = jnp.where(a >= d, one, zero)
    xbc = jnp.where(b >= c, one, zero)
    xbd = jnp.where(b >= d, one, zero)
    xcd = jnp.where(c >= d, one, zero)
    ra = three - (xab + xac + xad)
    rb = xab + (one - xbc) + (one - xbd)
    rc = xac + xbc + (one - xcd)
    rd = xad + xbd + xcd
    hi1 = jnp.maximum(a, b)
    lo1 = jnp.minimum(a, b)
    hi2 = jnp.maximum(c, d)
    lo2 = jnp.minimum(c, d)
    s0 = jnp.maximum(hi1, hi2)
    s3 = jnp.minimum(lo1, lo2)
    mhi = jnp.minimum(hi1, hi2)
    mlo = jnp.maximum(lo1, lo2)
    s1 = jnp.maximum(mhi, mlo)
    s2 = jnp.minimum(mhi, mlo)
    c1 = s0 + s1
    c2 = c1 + s2
    c3 = c2 + s3
    t0 = (s0 + p) * R2C
    t1 = (c1 + p) * R3C
    t2 = (c2 + p) * R4C
    t3 = (c3 + p) * R5C
    repl = jnp.maximum(jnp.maximum(t0, t1), jnp.maximum(t2, t3))
    am = jnp.where(t0 >= repl, zero,
                   jnp.where(t1 >= repl, one,
                             jnp.where(t2 >= repl, two, three)))
    oa = jnp.where(ra <= am, repl, a)
    ob = jnp.where(rb <= am, repl, b)
    oc = jnp.where(rc <= am, repl, c)
    od = jnp.where(rd <= am, repl, d)
    return oa, ob, oc, od, repl


@functools.partial(
    pl.kernel,
    out_type=(
        jax.ShapeDtypeStruct((B, H, C, W), jnp.float32),
        jax.ShapeDtypeStruct((B, HP, WP, C), jnp.float32),
    ),
    mesh=plsc.VectorSubcoreMesh(core_axis_name="c", subcore_axis_name="s"),
    compiler_params=pltpu.CompilerParams(use_tc_tiling_on_sc=True,
                                         needs_layout_passes=False),
    scratch_types=(
        [pltpu.VMEM((C, 128), jnp.float32) for _ in range(3)]
        + [pltpu.VMEM((C, 128), jnp.float32) for _ in range(3)]
        + [pltpu.VMEM((64, C), jnp.float32) for _ in range(3)]
        + [pltpu.SemaphoreType.DMA for _ in range(6)]
    ),
)
def _unpool_sc(x_hbm, p_hbm, ox_hbm, op_hbm,
               r0_0, r0_1, r0_2, r1_0, r1_1, r1_2,
               pp_0, pp_1, pp_2,
               is0, is1, is2, os0, os1, os2):
    bufs = ((r0_0, r1_0, pp_0), (r0_1, r1_1, pp_1), (r0_2, r1_2, pp_2))
    isems = (is0, is1, is2)
    osems = (os0, os1, os2)

    wid = lax.axis_index("s") * 2 + lax.axis_index("c")
    pair0 = wid * PAIRS_PER_W
    bb = wid // 8

    iota = lax.broadcasted_iota(jnp.int32, (16,), 0)

    def coords(t):
        rp = pair0 + t // TCOLS
        tc = t - (t // TCOLS) * TCOLS
        ii = rp - bb * HP
        return ii, tc

    def start_in(t, s):
        ii, tc = coords(t)
        r0, r1, pp = bufs[s]
        pltpu.async_copy(x_hbm.at[bb, 2 * ii, :, pl.ds(tc * 128, 128)],
                         r0, isems[s])
        pltpu.async_copy(x_hbm.at[bb, 2 * ii + 1, :, pl.ds(tc * 128, 128)],
                         r1, isems[s])
        pltpu.async_copy(p_hbm.at[bb, ii, pl.ds(tc * 64, 64), :],
                         pp, isems[s])

    def wait_in(s):
        r0, r1, pp = bufs[s]
        pltpu.make_async_copy(x_hbm.at[0, 0, :, pl.ds(0, 128)], r0,
                              isems[s]).wait()
        pltpu.make_async_copy(x_hbm.at[0, 0, :, pl.ds(0, 128)], r1,
                              isems[s]).wait()
        pltpu.make_async_copy(p_hbm.at[0, 0, pl.ds(0, 64), :], pp,
                              isems[s]).wait()

    def start_out(t, s):
        ii, tc = coords(t)
        r0, r1, pp = bufs[s]
        pltpu.async_copy(r0, ox_hbm.at[bb, 2 * ii, :, pl.ds(tc * 128, 128)],
                         osems[s])
        pltpu.async_copy(r1, ox_hbm.at[bb, 2 * ii + 1, :, pl.ds(tc * 128, 128)],
                         osems[s])
        pltpu.async_copy(pp, op_hbm.at[bb, ii, pl.ds(tc * 64, 64), :],
                         osems[s])

    def wait_out(s):
        r0, r1, pp = bufs[s]
        pltpu.make_async_copy(r0, ox_hbm.at[0, 0, :, pl.ds(0, 128)],
                              osems[s]).wait()
        pltpu.make_async_copy(r1, ox_hbm.at[0, 0, :, pl.ds(0, 128)],
                              osems[s]).wait()
        pltpu.make_async_copy(pp, op_hbm.at[0, 0, pl.ds(0, 64), :],
                              osems[s]).wait()

    def compute(s):
        r0, r1, pp = bufs[s]

        @plsc.parallel_loop(0, 6 * 4 * 16)
        def grp_body(i):
            cc0 = lax.shift_left(lax.shift_right_logical(i, 6), 4)
            j0 = lax.shift_left(
                lax.bitwise_and(lax.shift_right_logical(i, 4), 3), 4)
            o = lax.bitwise_and(i, 15)
            ccv = cc0 + iota
            jv = j0 + lax.bitwise_and(iota + o, 15)
            wav = jv * 2
            wbv = wav + 1
            a = plsc.load_gather(r0, [ccv, wav])
            b = plsc.load_gather(r0, [ccv, wbv])
            c = plsc.load_gather(r1, [ccv, wav])
            d = plsc.load_gather(r1, [ccv, wbv])
            p = plsc.load_gather(pp, [jv, ccv])
            oa, ob, oc, od, repl = _block_net(a, b, c, d, p)
            plsc.store_scatter(r0, [ccv, wav], oa)
            plsc.store_scatter(r0, [ccv, wbv], ob)
            plsc.store_scatter(r1, [ccv, wav], oc)
            plsc.store_scatter(r1, [ccv, wbv], od)
            plsc.store_scatter(pp, [jv, ccv], repl)

    start_in(jnp.int32(0), 0)
    start_in(jnp.int32(1), 1)

    def outer(u, carry):
        for s in range(3):
            t = u * 3 + s
            wait_in(s)
            compute(s)
            start_out(t, s)
            s2 = (s + 2) % 3

            @pl.when(t >= 1)
            def _():
                wait_out(s2)

            @pl.when(t + 2 < NCHUNK)
            def _():
                start_in(t + 2, s2)
        return carry

    lax.fori_loop(0, NCHUNK // 3, outer, 0)
    wait_out((NCHUNK - 1) % 3)


def kernel(x, pooled):
    xt = x.transpose(0, 1, 3, 2)
    oxt, op2 = _unpool_sc(xt, pooled)
    return oxt.transpose(0, 1, 3, 2), op2

# --- scband reference (transcript-rebuilt; emitter-appended) ---
"""Pipeline reference for scband-unpool-ls-23725399343218 (READ-ONLY COPY).

The authoritative reference and input builder live on the scoring server;
editing this copy changes nothing except your own understanding.
"""

import jax, jax.numpy as jnp
import numpy as np

POOL = (2, 2)

def setup_inputs(seed: int = 0) -> dict:
    key = jax.random.key(seed)
    k1, k2 = jax.random.split(key)
    x = jax.random.normal(k1, (4, 384, 384, 96), dtype=jnp.float32)
    pooled = jax.random.normal(k2, (4, 192, 192, 96), dtype=jnp.float32)
    return {"x": x, "pooled": pooled}

def reference(x, pooled):
    # Faithful reconstruction of Unpool_LS.call (with the obvious typo fixes:
    # gatheredRows2, tf.constant, tf.reduce_max, blockShape).
    # The concat_splits gymnastics group each poolSz[0] x poolSz[1] spatial block
    # into a length-n vector per (b, h, w, c); we reproduce that grouping with
    # reshape/transpose, which yields the identical per-block ordering (row-major
    # within the block), so sort/argsort/ranks and the final scatter-back match.
    p0, p1 = POOL
    B, H, W, C = x.shape
    h, w = H // p0, W // p1
    n = p0 * p1
    # v: (B, h, w, C, n) -- block-position axis last, row-major (p0 then p1)
    v = x.reshape(B, h, p0, w, p1, C).transpose(0, 1, 3, 5, 2, 4).reshape(B, h, w, C, n)
    neg = -v
    sorted_desc = -jnp.sort(neg, axis=-1)            # stable descending sort
    order = jnp.argsort(neg, axis=-1)                # stable descending argsort
    cum = jnp.cumsum(sorted_desc, axis=-1) + pooled[..., None]
    recip = (1.0 / jnp.arange(2.0, n + 2.0)).astype(jnp.float32)
    cumavg = cum * recip
    repl = jnp.max(cumavg, axis=-1, keepdims=True)   # replacementVals
    amax = jnp.argmax(cumavg, axis=-1, keepdims=True)
    ranks = jnp.argsort(order, axis=-1)              # descending rank of each original position
    mask = ranks <= amax                             # top-(argMax+1) elements selected
    out_v = jnp.where(mask, repl, v)
    output = out_v.reshape(B, h, w, C, p0, p1).transpose(0, 1, 4, 2, 5, 3).reshape(B, H, W, C)
    output2 = repl[..., 0]                           # (B, h, w, C) pooled-resolution replacement values
    return output, output2

if __name__ == "__main__":
    import jax
    _d = setup_inputs()
    print(jax.jit(kernel)(*tuple(_d.values())))

</pallas_src>

<mosaic_0001>
#map = affine_map<(d0, d1) -> (0, 0, 0, 0)>
module attributes {stable_mosaic.version = 14 : i64} {
  func.func @_unpool_sc(%arg0: i32, %arg1: i32, %arg2: memref<4x384x96x384xf32, #tpu.memory_space<hbm>>, %arg3: memref<4x192x192x96xf32, #tpu.memory_space<hbm>>, %arg4: memref<4x384x96x384xf32, #tpu.memory_space<hbm>>, %arg5: memref<4x192x192x96xf32, #tpu.memory_space<hbm>>, %arg6: memref<96x128xf32, #tpu.memory_space<vmem>>, %arg7: memref<96x128xf32, #tpu.memory_space<vmem>>, %arg8: memref<96x128xf32, #tpu.memory_space<vmem>>, %arg9: memref<96x128xf32, #tpu.memory_space<vmem>>, %arg10: memref<96x128xf32, #tpu.memory_space<vmem>>, %arg11: memref<96x128xf32, #tpu.memory_space<vmem>>, %arg12: memref<64x96xf32, #tpu.memory_space<vmem>>, %arg13: memref<64x96xf32, #tpu.memory_space<vmem>>, %arg14: memref<64x96xf32, #tpu.memory_space<vmem>>, %arg15: memref<!tpu.dma_semaphore, #tpu.memory_space<semaphore_mem>>, %arg16: memref<!tpu.dma_semaphore, #tpu.memory_space<semaphore_mem>>, %arg17: memref<!tpu.dma_semaphore, #tpu.memory_space<semaphore_mem>>, %arg18: memref<!tpu.dma_semaphore, #tpu.memory_space<semaphore_mem>>, %arg19: memref<!tpu.dma_semaphore, #tpu.memory_space<semaphore_mem>>, %arg20: memref<!tpu.dma_semaphore, #tpu.memory_space<semaphore_mem>>) attributes {dimension_semantics = [#tpu.dimension_semantics<core_parallel>, #tpu.dimension_semantics<subcore_parallel>], iteration_bounds = array<i64: 2, 16>, scalar_prefetch = 0 : i64, scratch_operands = 15 : i64, tpu.core_type = #tpu.core_type<sc_vector_subcore>, window_params = [{transform_indices = #map}, {transform_indices = #map}, {transform_indices = #map}, {transform_indices = #map}]} {
    %mul3A = arith.constant 2 : i32
    %mul3A_0 = arith.muli %arg1, %mul3A : i32
    %add3A = arith.addi %mul3A_0, %arg0 : i32
    %mul3A_1 = arith.constant 24 : i32
    %mul3A_2 = arith.muli %add3A, %mul3A_1 : i32
    %jit3A = arith.constant 8 : i32
    %div3A = arith.divsi %add3A, %jit3A : i32
    %sign3A = arith.constant 0 : i32
    %sign3A_3 = arith.cmpi sgt, %add3A, %sign3A : i32
    %sign3A_4 = arith.extui %sign3A_3 : i1 to i32
    %sign3A_5 = arith.constant 0 : i32
    %sign3A_6 = arith.cmpi slt, %add3A, %sign3A_5 : i32
    %sign3A_7 = arith.extui %sign3A_6 : i1 to i32
    %sign3A_8 = arith.subi %sign3A_4, %sign3A_7 : i32
    %sign3A_9 = arith.constant 0 : i32
    %sign3A_10 = arith.cmpi sgt, %jit3A, %sign3A_9 : i32
    %sign3A_11 = arith.extui %sign3A_10 : i1 to i32
    %sign3A_12 = arith.constant 0 : i32
    %sign3A_13 = arith.cmpi slt, %jit3A, %sign3A_12 : i32
    %sign3A_14 = arith.extui %sign3A_13 : i1 to i32
    %sign3A_15 = arith.subi %sign3A_11, %sign3A_14 : i32
    %ne3A = arith.cmpi ne, %sign3A_8, %sign3A_15 : i32
    %rem3A = arith.remsi %add3A, %jit3A : i32
    %ne3A_16 = arith.constant 0 : i32
    %ne3A_17 = arith.cmpi ne, %rem3A, %ne3A_16 : i32
    %and3A = arith.andi %ne3A, %ne3A_17 : i1
    %sub3A = arith.constant 1 : i32
    %sub3A_18 = arith.subi %div3A, %sub3A : i32
    %select_n3A = arith.select %and3A, %sub3A_18, %div3A : i32
    %iota3A = tpu.iota {dimensions = array<i32: 0>} : vector<16xi32>
    %jit3A_19 = arith.constant 0 : i32
    %jit3A_20 = arith.constant 3 : i32
    %div3A_21 = arith.divsi %jit3A_19, %jit3A_20 : i32
    %sign3A_22 = arith.constant 0 : i32
    %sign3A_23 = arith.cmpi sgt, %jit3A_19, %sign3A_22 : i32
    %sign3A_24 = arith.extui %sign3A_23 : i1 to i32
    %sign3A_25 = arith.constant 0 : i32
    %sign3A_26 = arith.cmpi slt, %jit3A_19, %sign3A_25 : i32
    %sign3A_27 = arith.extui %sign3A_26 : i1 to i32
    %sign3A_28 = arith.subi %sign3A_24, %sign3A_27 : i32
    %sign3A_29 = arith.constant 0 : i32
    %sign3A_30 = arith.cmpi sgt, %jit3A_20, %sign3A_29 : i32
    %sign3A_31 = arith.extui %sign3A_30 : i1 to i32
    %sign3A_32 = arith.constant 0 : i32
    %sign3A_33 = arith.cmpi slt, %jit3A_20, %sign3A_32 : i32
    %sign3A_34 = arith.extui %sign3A_33 : i1 to i32
    %sign3A_35 = arith.subi %sign3A_31, %sign3A_34 : i32
    %ne3A_36 = arith.cmpi ne, %sign3A_28, %sign3A_35 : i32
    %rem3A_37 = arith.remsi %jit3A_19, %jit3A_20 : i32
    %ne3A_38 = arith.constant 0 : i32
    %ne3A_39 = arith.cmpi ne, %rem3A_37, %ne3A_38 : i32
    %and3A_40 = arith.andi %ne3A_36, %ne3A_39 : i1
    %sub3A_41 = arith.constant 1 : i32
    %sub3A_42 = arith.subi %div3A_21, %sub3A_41 : i32
    %select_n3A_43 = arith.select %and3A_40, %sub3A_42, %div3A_21 : i32
    %add3A_44 = arith.addi %mul3A_2, %select_n3A_43 : i32
    %jit3A_45 = arith.constant 0 : i32
    %jit3A_46 = arith.constant 3 : i32
    %div3A_47 = arith.divsi %jit3A_45, %jit3A_46 : i32
    %sign3A_48 = arith.constant 0 : i32
    %sign3A_49 = arith.cmpi sgt, %jit3A_45, %sign3A_48 : i32
    %sign3A_50 = arith.extui %sign3A_49 : i1 to i32
    %sign3A_51 = arith.constant 0 : i32
    %sign3A_52 = arith.cmpi slt, %jit3A_45, %sign3A_51 : i32
    %sign3A_53 = arith.extui %sign3A_52 : i1 to i32
    %sign3A_54 = arith.subi %sign3A_50, %sign3A_53 : i32
    %sign3A_55 = arith.constant 0 : i32
    %sign3A_56 = arith.cmpi sgt, %jit3A_46, %sign3A_55 : i32
    %sign3A_57 = arith.extui %sign3A_56 : i1 to i32
    %sign3A_58 = arith.constant 0 : i32
    %sign3A_59 = arith.cmpi slt, %jit3A_46, %sign3A_58 : i32
    %sign3A_60 = arith.extui %sign3A_59 : i1 to i32
    %sign3A_61 = arith.subi %sign3A_57, %sign3A_60 : i32
    %ne3A_62 = arith.cmpi ne, %sign3A_54, %sign3A_61 : i32
    %rem3A_63 = arith.remsi %jit3A_45, %jit3A_46 : i32
    %ne3A_64 = arith.constant 0 : i32
    %ne3A_65 = arith.cmpi ne, %rem3A_63, %ne3A_64 : i32
    %and3A_66 = arith.andi %ne3A_62, %ne3A_65 : i1
    %sub3A_67 = arith.constant 1 : i32
    %sub3A_68 = arith.subi %div3A_47, %sub3A_67 : i32
    %select_n3A_69 = arith.select %and3A_66, %sub3A_68, %div3A_47 : i32
    %mul3A_70 = arith.constant 3 : i32
    %mul3A_71 = arith.muli %select_n3A_69, %mul3A_70 : i32
    %sub3A_72 = arith.constant 0 : i32
    %sub3A_73 = arith.subi %sub3A_72, %mul3A_71 : i32
    %mul3A_74 = arith.constant 192 : i32
    %mul3A_75 = arith.muli %select_n3A, %mul3A_74 : i32
    %sub3A_76 = arith.subi %add3A_44, %mul3A_75 : i32
    %mul3A_77 = arith.constant 2 : i32
    %mul3A_78 = arith.muli %mul3A_77, %sub3A_76 : i32
    %mul3A_79 = arith.constant 128 : i32
    %mul3A_80 = arith.muli %sub3A_73, %mul3A_79 : i32
    %dma_start3A = arith.constant 0 : i32
    %dma_start3A_81 = tpu.memref_slice %arg2[%select_n3A, %mul3A_78, %dma_start3A, %mul3A_80] : memref<4x384x96x384xf32, #tpu.memory_space<hbm>> -> memref<1x1x96x128xf32, #tpu.memory_space<hbm>>
    %dma_start3A_82 = tpu.memref_squeeze %dma_start3A_81 : memref<1x1x96x128xf32, #tpu.memory_space<hbm>> -> memref<96x128xf32, #tpu.memory_space<hbm>>
    %dma_start3A_83 = arith.constant 0 : i32
    %dma_start3A_84 = tpu.memref_slice %arg2[%select_n3A, %mul3A_78, %dma_start3A_83, %mul3A_80] : memref<4x384x96x384xf32, #tpu.memory_space<hbm>> -> memref<1x1x96x128xf32, #tpu.memory_space<hbm>>
    %dma_start3A_85 = tpu.memref_squeeze %dma_start3A_84 : memref<1x1x96x128xf32, #tpu.memory_space<hbm>> -> memref<96x128xf32, #tpu.memory_space<hbm>>
    tpu.enqueue_dma source(%dma_start3A_85 : memref<96x128xf32, #tpu.memory_space<hbm>>) target(%arg6 : memref<96x128xf32, #tpu.memory_space<vmem>>) target_semaphore(%arg15 : memref<!tpu.dma_semaphore, #tpu.memory_space<semaphore_mem>>)
    %mul3A_86 = arith.constant 2 : i32
    %mul3A_87 = arith.muli %mul3A_86, %sub3A_76 : i32
    %add3A_88 = arith.constant 1 : i32
    %add3A_89 = arith.addi %mul3A_87, %add3A_88 : i32
    %mul3A_90 = arith.constant 128 : i32
    %mul3A_91 = arith.muli %sub3A_73, %mul3A_90 : i32
    %dma_start3A_92 = arith.constant 0 : i32
    %dma_start3A_93 = tpu.memref_slice %arg2[%select_n3A, %add3A_89, %dma_start3A_92, %mul3A_91] : memref<4x384x96x384xf32, #tpu.memory_space<hbm>> -> memref<1x1x96x128xf32, #tpu.memory_space<hbm>>
    %dma_start3A_94 = tpu.memref_squeeze %dma_start3A_93 : memref<1x1x96x128xf32, #tpu.memory_space<hbm>> -> memref<96x128xf32, #tpu.memory_space<hbm>>
    %dma_start3A_95 = arith.constant 0 : i32
    %dma_start3A_96 = tpu.memref_slice %arg2[%select_n3A, %add3A_89, %dma_start3A_95, %mul3A_91] : memref<4x384x96x384xf32, #tpu.memory_space<hbm>> -> memref<1x1x96x128xf32, #tpu.memory_space<hbm>>
    %dma_start3A_97 = tpu.memref_squeeze %dma_start3A_96 : memref<1x1x96x128xf32, #tpu.memory_space<hbm>> -> memref<96x128xf32, #tpu.memory_space<hbm>>
    tpu.enqueue_dma source(%dma_start3A_97 : memref<96x128xf32, #tpu.memory_space<hbm>>) target(%arg9 : memref<96x128xf32, #tpu.memory_space<vmem>>) target_semaphore(%arg15 : memref<!tpu.dma_semaphore, #tpu.memory_space<semaphore_mem>>)
    %mul3A_98 = arith.constant 64 : i32
    %mul3A_99 = arith.muli %sub3A_73, %mul3A_98 : i32
    %dma_start3A_100 = arith.constant 0 : i32
    %dma_start3A_101 = tpu.memref_slice %arg3[%select_n3A, %sub3A_76, %mul3A_99, %dma_start3A_100] : memref<4x192x192x96xf32, #tpu.memory_space<hbm>> -> memref<1x1x64x96xf32, #tpu.memory_space<hbm>>
    %dma_start3A_102 = tpu.memref_squeeze %dma_start3A_101 : memref<1x1x64x96xf32, #tpu.memory_space<hbm>> -> memref<64x96xf32, #tpu.memory_space<hbm>>
    %dma_start3A_103 = arith.constant 0 : i32
    %dma_start3A_104 = tpu.memref_slice %arg3[%select_n3A, %sub3A_76, %mul3A_99, %dma_start3A_103] : memref<4x192x192x96xf32, #tpu.memory_space<hbm>> -> memref<1x1x64x96xf32, #tpu.memory_space<hbm>>
    %dma_start3A_105 = tpu.memref_squeeze %dma_start3A_104 : memref<1x1x64x96xf32, #tpu.memory_space<hbm>> -> memref<64x96xf32, #tpu.memory_space<hbm>>
    tpu.enqueue_dma source(%dma_start3A_105 : memref<64x96xf32, #tpu.memory_space<hbm>>) target(%arg12 : memref<64x96xf32, #tpu.memory_space<vmem>>) target_semaphore(%arg15 : memref<!tpu.dma_semaphore, #tpu.memory_space<semaphore_mem>>)
    %jit3A_106 = arith.constant 1 : i32
    %jit3A_107 = arith.constant 3 : i32
    %div3A_108 = arith.divsi %jit3A_106, %jit3A_107 : i32
    %sign3A_109 = arith.constant 0 : i32
    %sign3A_110 = arith.cmpi sgt, %jit3A_106, %sign3A_109 : i32
    %sign3A_111 = arith.extui %sign3A_110 : i1 to i32
    %sign3A_112 = arith.constant 0 : i32
    %sign3A_113 = arith.cmpi slt, %jit3A_106, %sign3A_112 : i32
    %sign3A_114 = arith.extui %sign3A_113 : i1 to i32
    %sign3A_115 = arith.subi %sign3A_111, %sign3A_114 : i32
    %sign3A_116 = arith.constant 0 : i32
    %sign3A_117 = arith.cmpi sgt, %jit3A_107, %sign3A_116 : i32
    %sign3A_118 = arith.extui %sign3A_117 : i1 to i32
    %sign3A_119 = arith.constant 0 : i32
    %sign3A_120 = arith.cmpi slt, %jit3A_107, %sign3A_119 : i32
    %sign3A_121 = arith.extui %sign3A_120 : i1 to i32
    %sign3A_122 = arith.subi %sign3A_118, %sign3A_121 : i32
    %ne3A_123 = arith.cmpi ne, %sign3A_115, %sign3A_122 : i32
    %rem3A_124 = arith.remsi %jit3A_106, %jit3A_107 : i32
    %ne3A_125 = arith.constant 0 : i32
    %ne3A_126 = arith.cmpi ne, %rem3A_124, %ne3A_125 : i32
    %and3A_127 = arith.andi %ne3A_123, %ne3A_126 : i1
    %sub3A_128 = arith.constant 1 : i32
    %sub3A_129 = arith.subi %div3A_108, %sub3A_128 : i32
    %select_n3A_130 = arith.select %and3A_127, %sub3A_129, %div3A_108 : i32
    %add3A_131 = arith.addi %mul3A_2, %select_n3A_130 : i32
    %jit3A_132 = arith.constant 1 : i32
    %jit3A_133 = arith.constant 3 : i32
    %div3A_134 = arith.divsi %jit3A_132, %jit3A_133 : i32
    %sign3A_135 = arith.constant 0 : i32
    %sign3A_136 = arith.cmpi sgt, %jit3A_132, %sign3A_135 : i32
    %sign3A_137 = arith.extui %sign3A_136 : i1 to i32
    %sign3A_138 = arith.constant 0 : i32
    %sign3A_139 = arith.cmpi slt, %jit3A_132, %sign3A_138 : i32
    %sign3A_140 = arith.extui %sign3A_139 : i1 to i32
    %sign3A_141 = arith.subi %sign3A_137, %sign3A_140 : i32
    %sign3A_142 = arith.constant 0 : i32
    %sign3A_143 = arith.cmpi sgt, %jit3A_133, %sign3A_142 : i32
    %sign3A_144 = arith.extui %sign3A_143 : i1 to i32
    %sign3A_145 = arith.constant 0 : i32
    %sign3A_146 = arith.cmpi slt, %jit3A_133, %sign3A_145 : i32
    %sign3A_147 = arith.extui %sign3A_146 : i1 to i32
    %sign3A_148 = arith.subi %sign3A_144, %sign3A_147 : i32
    %ne3A_149 = arith.cmpi ne, %sign3A_141, %sign3A_148 : i32
    %rem3A_150 = arith.remsi %jit3A_132, %jit3A_133 : i32
    %ne3A_151 = arith.constant 0 : i32
    %ne3A_152 = arith.cmpi ne, %rem3A_150, %ne3A_151 : i32
    %and3A_153 = arith.andi %ne3A_149, %ne3A_152 : i1
    %sub3A_154 = arith.constant 1 : i32
    %sub3A_155 = arith.subi %div3A_134, %sub3A_154 : i32
    %select_n3A_156 = arith.select %and3A_153, %sub3A_155, %div3A_134 : i32
    %mul3A_157 = arith.constant 3 : i32
    %mul3A_158 = arith.muli %select_n3A_156, %mul3A_157 : i32
    %sub3A_159 = arith.constant 1 : i32
    %sub3A_160 = arith.subi %sub3A_159, %mul3A_158 : i32
    %mul3A_161 = arith.constant 192 : i32
    %mul3A_162 = arith.muli %select_n3A, %mul3A_161 : i32
    %sub3A_163 = arith.subi %add3A_131, %mul3A_162 : i32
    %mul3A_164 = arith.constant 2 : i32
    %mul3A_165 = arith.muli %mul3A_164, %sub3A_163 : i32
    %mul3A_166 = arith.constant 128 : i32
    %mul3A_167 = arith.muli %sub3A_160, %mul3A_166 : i32
    %dma_start3A_168 = arith.constant 0 : i32
    %dma_start3A_169 = tpu.memref_slice %arg2[%select_n3A, %mul3A_165, %dma_start3A_168, %mul3A_167] : memref<4x384x96x384xf32, #tpu.memory_space<hbm>> -> memref<1x1x96x128xf32, #tpu.memory_space<hbm>>
    %dma_start3A_170 = tpu.memref_squeeze %dma_start3A_169 : memref<1x1x96x128xf32, #tpu.memory_space<hbm>> -> memref<96x128xf32, #tpu.memory_space<hbm>>
    %dma_start3A_171 = arith.constant 0 : i32
    %dma_start3A_172 = tpu.memref_slice %arg2[%select_n3A, %mul3A_165, %dma_start3A_171, %mul3A_167] : memref<4x384x96x384xf32, #tpu.memory_space<hbm>> -> memref<1x1x96x128xf32, #tpu.memory_space<hbm>>
    %dma_start3A_173 = tpu.memref_squeeze %dma_start3A_172 : memref<1x1x96x128xf32, #tpu.memory_space<hbm>> -> memref<96x128xf32, #tpu.memory_space<hbm>>
    tpu.enqueue_dma source(%dma_start3A_173 : memref<96x128xf32, #tpu.memory_space<hbm>>) target(%arg7 : memref<96x128xf32, #tpu.memory_space<vmem>>) target_semaphore(%arg16 : memref<!tpu.dma_semaphore, #tpu.memory_space<semaphore_mem>>)
    %mul3A_174 = arith.constant 2 : i32
    %mul3A_175 = arith.muli %mul3A_174, %sub3A_163 : i32
    %add3A_176 = arith.constant 1 : i32
    %add3A_177 = arith.addi %mul3A_175, %add3A_176 : i32
    %mul3A_178 = arith.constant 128 : i32
    %mul3A_179 = arith.muli %sub3A_160, %mul3A_178 : i32
    %dma_start3A_180 = arith.constant 0 : i32
    %dma_start3A_181 = tpu.memref_slice %arg2[%select_n3A, %add3A_177, %dma_start3A_180, %mul3A_179] : memref<4x384x96x384xf32, #tpu.memory_space<hbm>> -> memref<1x1x96x128xf32, #tpu.memory_space<hbm>>
    %dma_start3A_182 = tpu.memref_squeeze %dma_start3A_181 : memref<1x1x96x128xf32, #tpu.memory_space<hbm>> -> memref<96x128xf32, #tpu.memory_space<hbm>>
    %dma_start3A_183 = arith.constant 0 : i32
    %dma_start3A_184 = tpu.memref_slice %arg2[%select_n3A, %add3A_177, %dma_start3A_183, %mul3A_179] : memref<4x384x96x384xf32, #tpu.memory_space<hbm>> -> memref<1x1x96x128xf32, #tpu.memory_space<hbm>>
    %dma_start3A_185 = tpu.memref_squeeze %dma_start3A_184 : memref<1x1x96x128xf32, #tpu.memory_space<hbm>> -> memref<96x128xf32, #tpu.memory_space<hbm>>
    tpu.enqueue_dma source(%dma_start3A_185 : memref<96x128xf32, #tpu.memory_space<hbm>>) target(%arg10 : memref<96x128xf32, #tpu.memory_space<vmem>>) target_semaphore(%arg16 : memref<!tpu.dma_semaphore, #tpu.memory_space<semaphore_mem>>)
    %mul3A_186 = arith.constant 64 : i32
    %mul3A_187 = arith.muli %sub3A_160, %mul3A_186 : i32
    %dma_start3A_188 = arith.constant 0 : i32
    %dma_start3A_189 = tpu.memref_slice %arg3[%select_n3A, %sub3A_163, %mul3A_187, %dma_start3A_188] : memref<4x192x192x96xf32, #tpu.memory_space<hbm>> -> memref<1x1x64x96xf32, #tpu.memory_space<hbm>>
    %dma_start3A_190 = tpu.memref_squeeze %dma_start3A_189 : memref<1x1x64x96xf32, #tpu.memory_space<hbm>> -> memref<64x96xf32, #tpu.memory_space<hbm>>
    %dma_start3A_191 = arith.constant 0 : i32
    %dma_start3A_192 = tpu.memref_slice %arg3[%select_n3A, %sub3A_163, %mul3A_187, %dma_start3A_191] : memref<4x192x192x96xf32, #tpu.memory_space<hbm>> -> memref<1x1x64x96xf32, #tpu.memory_space<hbm>>
    %dma_start3A_193 = tpu.memref_squeeze %dma_start3A_192 : memref<1x1x64x96xf32, #tpu.memory_space<hbm>> -> memref<64x96xf32, #tpu.memory_space<hbm>>
    tpu.enqueue_dma source(%dma_start3A_193 : memref<64x96xf32, #tpu.memory_space<hbm>>) target(%arg13 : memref<64x96xf32, #tpu.memory_space<vmem>>) target_semaphore(%arg16 : memref<!tpu.dma_semaphore, #tpu.memory_space<semaphore_mem>>)
    %scan3A = arith.constant 0 : i32
    %scan3A_194 = arith.constant 0 : i32
    %scan3A_195 = arith.constant 24 : i32
    %scan3A_196 = arith.addi %scan3A_194, %scan3A_195 : i32
    %scan3A_197 = arith.constant 1 : i32
    scf.for %scan3A_228 = %scan3A_194 to %scan3A_196 step %scan3A_197  : i32 {
      %mul3A_229 = arith.constant 3 : i32
      %mul3A_230 = arith.muli %scan3A_228, %mul3A_229 : i32
      %add3A_231 = arith.constant 0 : i32
      %add3A_232 = arith.addi %mul3A_230, %add3A_231 : i32
      %dma_wait3A_233 = arith.constant 0 : i32
      %dma_wait3A_234 = arith.constant 0 : i32
      %dma_wait3A_235 = arith.constant 0 : i32
      %dma_wait3A_236 = arith.constant 0 : i32
      %dma_wait3A_237 = tpu.memref_slice %arg2[%dma_wait3A_233, %dma_wait3A_234, %dma_wait3A_235, %dma_wait3A_236] : memref<4x384x96x384xf32, #tpu.memory_space<hbm>> -> memref<1x1x96x128xf32, #tpu.memory_space<hbm>>
      %dma_wait3A_238 = tpu.memref_squeeze %dma_wait3A_237 : memref<1x1x96x128xf32, #tpu.memory_space<hbm>> -> memref<96x128xf32, #tpu.memory_space<hbm>>
      %dma_wait3A_239 = arith.constant 0 : i32
      %dma_wait3A_240 = arith.constant 0 : i32
      %dma_wait3A_241 = tpu.memref_slice %arg2[%dma_wait3A_233, %dma_wait3A_234, %dma_wait3A_239, %dma_wait3A_240] : memref<4x384x96x384xf32, #tpu.memory_space<hbm>> -> memref<1x1x96x128xf32, #tpu.memory_space<hbm>>
      %dma_wait3A_242 = tpu.memref_squeeze %dma_wait3A_241 : memref<1x1x96x128xf32, #tpu.memory_space<hbm>> -> memref<96x128xf32, #tpu.memory_space<hbm>>
      tpu.wait_dma2 semaphore(%arg15 : memref<!tpu.dma_semaphore, #tpu.memory_space<semaphore_mem>>) src(%dma_wait3A_242 : memref<96x128xf32, #tpu.memory_space<hbm>>) dst(%arg6 : memref<96x128xf32, #tpu.memory_space<vmem>>)
      %dma_wait3A_243 = arith.constant 0 : i32
      %dma_wait3A_244 = arith.constant 0 : i32
      %dma_wait3A_245 = arith.constant 0 : i32
      %dma_wait3A_246 = arith.constant 0 : i32
      %dma_wait3A_247 = tpu.memref_slice %arg2[%dma_wait3A_243, %dma_wait3A_244, %dma_wait3A_245, %dma_wait3A_246] : memref<4x384x96x384xf32, #tpu.memory_space<hbm>> -> memref<1x1x96x128xf32, #tpu.memory_space<hbm>>
      %dma_wait3A_248 = tpu.memref_squeeze %dma_wait3A_247 : memref<1x1x96x128xf32, #tpu.memory_space<hbm>> -> memref<96x128xf32, #tpu.memory_space<hbm>>
      %dma_wait3A_249 = arith.constant 0 : i32
      %dma_wait3A_250 = arith.constant 0 : i32
      %dma_wait3A_251 = tpu.memref_slice %arg2[%dma_wait3A_243, %dma_wait3A_244, %dma_wait3A_249, %dma_wait3A_250] : memref<4x384x96x384xf32, #tpu.memory_space<hbm>> -> memref<1x1x96x128xf32, #tpu.memory_space<hbm>>
      %dma_wait3A_252 = tpu.memref_squeeze %dma_wait3A_251 : memref<1x1x96x128xf32, #tpu.memory_space<hbm>> -> memref<96x128xf32, #tpu.memory_space<hbm>>
      tpu.wait_dma2 semaphore(%arg15 : memref<!tpu.dma_semaphore, #tpu.memory_space<semaphore_mem>>) src(%dma_wait3A_252 : memref<96x128xf32, #tpu.memory_space<hbm>>) dst(%arg9 : memref<96x128xf32, #tpu.memory_space<vmem>>)
      %dma_wait3A_253 = arith.constant 0 : i32
      %dma_wait3A_254 = arith.constant 0 : i32
      %dma_wait3A_255 = arith.constant 0 : i32
      %dma_wait3A_256 = arith.constant 0 : i32
      %dma_wait3A_257 = tpu.memref_slice %arg3[%dma_wait3A_253, %dma_wait3A_254, %dma_wait3A_255, %dma_wait3A_256] : memref<4x192x192x96xf32, #tpu.memory_space<hbm>> -> memref<1x1x64x96xf32, #tpu.memory_space<hbm>>
      %dma_wait3A_258 = tpu.memref_squeeze %dma_wait3A_257 : memref<1x1x64x96xf32, #tpu.memory_space<hbm>> -> memref<64x96xf32, #tpu.memory_space<hbm>>
      %dma_wait3A_259 = arith.constant 0 : i32
      %dma_wait3A_260 = arith.constant 0 : i32
      %dma_wait3A_261 = tpu.memref_slice %arg3[%dma_wait3A_253, %dma_wait3A_254, %dma_wait3A_259, %dma_wait3A_260] : memref<4x192x192x96xf32, #tpu.memory_space<hbm>> -> memref<1x1x64x96xf32, #tpu.memory_space<hbm>>
      %dma_wait3A_262 = tpu.memref_squeeze %dma_wait3A_261 : memref<1x1x64x96xf32, #tpu.memory_space<hbm>> -> memref<64x96xf32, #tpu.memory_space<hbm>>
      tpu.wait_dma2 semaphore(%arg15 : memref<!tpu.dma_semaphore, #tpu.memory_space<semaphore_mem>>) src(%dma_wait3A_262 : memref<64x96xf32, #tpu.memory_space<hbm>>) dst(%arg12 : memref<64x96xf32, #tpu.memory_space<vmem>>)
      %parallel_loop3A = arith.constant 0 : i32
      %parallel_loop3A_263 = arith.constant 384 : i32
      %parallel_loop3A_264 = arith.constant 1 : i32
      scf.for %parallel_loop3A_626 = %parallel_loop3A to %parallel_loop3A_263 step %parallel_loop3A_264  : i32 {
        %parallel_loop3A_627 = arith.constant 6 : i32
        %parallel_loop3A_628 = arith.shrui %parallel_loop3A_626, %parallel_loop3A_627 : i32
        %parallel_loop3A_629 = arith.constant 4 : i32
        %parallel_loop3A_630 = arith.shli %parallel_loop3A_628, %parallel_loop3A_629 : i32
        %parallel_loop3A_631 = arith.constant 4 : i32
        %parallel_loop3A_632 = arith.shrui %parallel_loop3A_626, %parallel_loop3A_631 : i32
        %parallel_loop3A_633 = arith.constant 3 : i32
        %parallel_loop3A_634 = arith.andi %parallel_loop3A_632, %parallel_loop3A_633 : i32
        %parallel_loop3A_635 = arith.constant 4 : i32
        %parallel_loop3A_636 = arith.shli %parallel_loop3A_634, %parallel_loop3A_635 : i32
        %parallel_loop3A_637 = arith.constant 15 : i32
        %parallel_loop3A_638 = arith.andi %parallel_loop3A_626, %parallel_loop3A_637 : i32
        %parallel_loop3A_639 = vector.broadcast %parallel_loop3A_630 : i32 to vector<16xi32>
        %parallel_loop3A_640 = arith.addi %parallel_loop3A_639, %iota3A : vector<16xi32>
        %parallel_loop3A_641 = vector.broadcast %parallel_loop3A_638 : i32 to vector<16xi32>
        %parallel_loop3A_642 = arith.addi %iota3A, %parallel_loop3A_641 : vector<16xi32>
        %parallel_loop3A_643 = arith.constant 15 : i32
        %parallel_loop3A_644 = vector.broadcast %parallel_loop3A_643 : i32 to vector<16xi32>
        %parallel_loop3A_645 = arith.andi %parallel_loop3A_642, %parallel_loop3A_644 : vector<16xi32>
        %parallel_loop3A_646 = vector.broadcast %parallel_loop3A_636 : i32 to vector<16xi32>
        %parallel_loop3A_647 = arith.addi %parallel_loop3A_646, %parallel_loop3A_645 : vector<16xi32>
        %parallel_loop3A_648 = arith.constant 2 : i32
        %parallel_loop3A_649 = vector.broadcast %parallel_loop3A_648 : i32 to vector<16xi32>
        %parallel_loop3A_650 = arith.muli %parallel_loop3A_647, %parallel_loop3A_649 : vector<16xi32>
        %parallel_loop3A_651 = arith.constant 1 : i32
        %parallel_loop3A_652 = vector.broadcast %parallel_loop3A_651 : i32 to vector<16xi32>
        %parallel_loop3A_653 = arith.addi %parallel_loop3A_650, %parallel_loop3A_652 : vector<16xi32>
        %parallel_loop3A_654 = tpu.vector_load_idx %arg6[%parallel_loop3A_640, %parallel_loop3A_650] : memref<96x128xf32, #tpu.memory_space<vmem>>[vector<16xi32>, vector<16xi32>], vector<16xf32>,
        %parallel_loop3A_655 = tpu.vector_load_idx %arg6[%parallel_loop3A_640, %parallel_loop3A_653] : memref<96x128xf32, #tpu.memory_space<vmem>>[vector<16xi32>, vector<16xi32>], vector<16xf32>,
        %parallel_loop3A_656 = tpu.vector_load_idx %arg9[%parallel_loop3A_640, %parallel_loop3A_650] : memref<96x128xf32, #tpu.memory_space<vmem>>[vector<16xi32>, vector<16xi32>], vector<16xf32>,
        %parallel_loop3A_657 = tpu.vector_load_idx %arg9[%parallel_loop3A_640, %parallel_loop3A_653] : memref<96x128xf32, #tpu.memory_space<vmem>>[vector<16xi32>, vector<16xi32>], vector<16xf32>,
        %parallel_loop3A_658 = tpu.vector_load_idx %arg12[%parallel_loop3A_647, %parallel_loop3A_640] : memref<64x96xf32, #tpu.memory_space<vmem>>[vector<16xi32>, vector<16xi32>], vector<16xf32>,
        %parallel_loop3A_659 = arith.constant 1.000000e+00 : f32
        %parallel_loop3A_660 = vector.broadcast %parallel_loop3A_659 : f32 to vector<16xf32>
        %parallel_loop3A_661 = arith.constant 0.000000e+00 : f32
        %parallel_loop3A_662 = vector.broadcast %parallel_loop3A_661 : f32 to vector<16xf32>
        %parallel_loop3A_663 = arith.constant 2.000000e+00 : f32
        %parallel_loop3A_664 = vector.broadcast %parallel_loop3A_663 : f32 to vector<16xf32>
        %parallel_loop3A_665 = arith.constant 3.000000e+00 : f32
        %parallel_loop3A_666 = vector.broadcast %parallel_loop3A_665 : f32 to vector<16xf32>
        %parallel_loop3A_667 = arith.cmpf oge, %parallel_loop3A_654, %parallel_loop3A_655 : vector<16xf32>
        %parallel_loop3A_668 = arith.select %parallel_loop3A_667, %parallel_loop3A_660, %parallel_loop3A_662 : vector<16xi1>, vector<16xf32>
        %parallel_loop3A_669 = arith.cmpf oge, %parallel_loop3A_654, %parallel_loop3A_656 : vector<16xf32>
        %parallel_loop3A_670 = arith.select %parallel_loop3A_669, %parallel_loop3A_660, %parallel_loop3A_662 : vector<16xi1>, vector<16xf32>
        %parallel_loop3A_671 = arith.cmpf oge, %parallel_loop3A_654, %parallel_loop3A_657 : vector<16xf32>
        %parallel_loop3A_672 = arith.select %parallel_loop3A_671, %parallel_loop3A_660, %parallel_loop3A_662 : vector<16xi1>, vector<16xf32>
        %parallel_loop3A_673 = arith.cmpf oge, %parallel_loop3A_655, %parallel_loop3A_656 : vector<16xf32>
        %parallel_loop3A_674 = arith.select %parallel_loop3A_673, %parallel_loop3A_660, %parallel_loop3A_662 : vector<16xi1>, vector<16xf32>
        %parallel_loop3A_675 = arith.cmpf oge, %parallel_loop3A_655, %parallel_loop3A_657 : vector<16xf32>
        %parallel_loop3A_676 = arith.select %parallel_loop3A_675, %parallel_loop3A_660, %parallel_loop3A_662 : vector<16xi1>, vector<16xf32>
        %parallel_loop3A_677 = arith.cmpf oge, %parallel_loop3A_656, %parallel_loop3A_657 : vector<16xf32>
        %parallel_loop3A_678 = arith.select %parallel_loop3A_677, %parallel_loop3A_660, %parallel_loop3A_662 : vector<16xi1>, vector<16xf32>
        %parallel_loop3A_679 = arith.addf %parallel_loop3A_668, %parallel_loop3A_670 : vector<16xf32>
        %parallel_loop3A_680 = arith.addf %parallel_loop3A_679, %parallel_loop3A_672 : vector<16xf32>
        %parallel_loop3A_681 = arith.subf %parallel_loop3A_666, %parallel_loop3A_680 : vector<16xf32>
        %parallel_loop3A_682 = arith.subf %parallel_loop3A_660, %parallel_loop3A_674 : vector<16xf32>
        %parallel_loop3A_683 = arith.addf %parallel_loop3A_668, %parallel_loop3A_682 : vector<16xf32>
        %parallel_loop3A_684 = arith.subf %parallel_loop3A_660, %parallel_loop3A_676 : vector<16xf32>
        %parallel_loop3A_685 = arith.addf %parallel_loop3A_683, %parallel_loop3A_684 : vector<16xf32>
        %parallel_loop3A_686 = arith.addf %parallel_loop3A_670, %parallel_loop3A_674 : vector<16xf32>
        %parallel_loop3A_687 = arith.subf %parallel_loop3A_660, %parallel_loop3A_678 : vector<16xf32>
        %parallel_loop3A_688 = arith.addf %parallel_loop3A_686, %parallel_loop3A_687 : vector<16xf32>
        %parallel_loop3A_689 = arith.addf %parallel_loop3A_672, %parallel_loop3A_676 : vector<16xf32>
        %parallel_loop3A_690 = arith.addf %parallel_loop3A_689, %parallel_loop3A_678 : vector<16xf32>
        %parallel_loop3A_691 = arith.maximumf %parallel_loop3A_654, %parallel_loop3A_655 : vector<16xf32>
        %parallel_loop3A_692 = arith.minimumf %parallel_loop3A_654, %parallel_loop3A_655 : vector<16xf32>
        %parallel_loop3A_693 = arith.maximumf %parallel_loop3A_656, %parallel_loop3A_657 : vector<16xf32>
        %parallel_loop3A_694 = arith.minimumf %parallel_loop3A_656, %parallel_loop3A_657 : vector<16xf32>
        %parallel_loop3A_695 = arith.maximumf %parallel_loop3A_691, %parallel_loop3A_693 : vector<16xf32>
        %parallel_loop3A_696 = arith.minimumf %parallel_loop3A_692, %parallel_loop3A_694 : vector<16xf32>
        %parallel_loop3A_697 = arith.minimumf %parallel_loop3A_691, %parallel_loop3A_693 : vector<16xf32>
        %parallel_loop3A_698 = arith.maximumf %parallel_loop3A_692, %parallel_loop3A_694 : vector<16xf32>
        %parallel_loop3A_699 = arith.maximumf %parallel_loop3A_697, %parallel_loop3A_698 : vector<16xf32>
        %parallel_loop3A_700 = arith.minimumf %parallel_loop3A_697, %parallel_loop3A_698 : vector<16xf32>
        %parallel_loop3A_701 = arith.addf %parallel_loop3A_695, %parallel_loop3A_699 : vector<16xf32>
        %parallel_loop3A_702 = arith.addf %parallel_loop3A_701, %parallel_loop3A_700 : vector<16xf32>
        %parallel_loop3A_703 = arith.addf %parallel_loop3A_702, %parallel_loop3A_696 : vector<16xf32>
        %parallel_loop3A_704 = arith.addf %parallel_loop3A_695, %parallel_loop3A_658 : vector<16xf32>
        %parallel_loop3A_705 = arith.constant 5.000000e-01 : f32
        %parallel_loop3A_706 = vector.broadcast %parallel_loop3A_705 : f32 to vector<16xf32>
        %parallel_loop3A_707 = arith.mulf %parallel_loop3A_704, %parallel_loop3A_706 : vector<16xf32>
        %parallel_loop3A_708 = arith.addf %parallel_loop3A_701, %parallel_loop3A_658 : vector<16xf32>
        %parallel_loop3A_709 = arith.constant 0.333333343 : f32
        %parallel_loop3A_710 = vector.broadcast %parallel_loop3A_709 : f32 to vector<16xf32>
        %parallel_loop3A_711 = arith.mulf %parallel_loop3A_708, %parallel_loop3A_710 : vector<16xf32>
        %parallel_loop3A_712 = arith.addf %parallel_loop3A_702, %parallel_loop3A_658 : vector<16xf32>
        %parallel_loop3A_713 = arith.constant 2.500000e-01 : f32
        %parallel_loop3A_714 = vector.broadcast %parallel_loop3A_713 : f32 to vector<16xf32>
        %parallel_loop3A_715 = arith.mulf %parallel_loop3A_712, %parallel_loop3A_714 : vector<16xf32>
        %parallel_loop3A_716 = arith.addf %parallel_loop3A_703, %parallel_loop3A_658 : vector<16xf32>
        %parallel_loop3A_717 = arith.constant 2.000000e-01 : f32
        %parallel_loop3A_718 = vector.broadcast %parallel_loop3A_717 : f32 to vector<16xf32>
        %parallel_loop3A_719 = arith.mulf %parallel_loop3A_716, %parallel_loop3A_718 : vector<16xf32>
        %parallel_loop3A_720 = arith.maximumf %parallel_loop3A_707, %parallel_loop3A_711 : vector<16xf32>
        %parallel_loop3A_721 = arith.maximumf %parallel_loop3A_715, %parallel_loop3A_719 : vector<16xf32>
        %parallel_loop3A_722 = arith.maximumf %parallel_loop3A_720, %parallel_loop3A_721 : vector<16xf32>
        %parallel_loop3A_723 = arith.cmpf oge, %parallel_loop3A_707, %parallel_loop3A_722 : vector<16xf32>
        %parallel_loop3A_724 = arith.cmpf oge, %parallel_loop3A_711, %parallel_loop3A_722 : vector<16xf32>
        %parallel_loop3A_725 = arith.cmpf oge, %parallel_loop3A_715, %parallel_loop3A_722 : vector<16xf32>
        %parallel_loop3A_726 = arith.select %parallel_loop3A_725, %parallel_loop3A_664, %parallel_loop3A_666 : vector<16xi1>, vector<16xf32>
        %parallel_loop3A_727 = arith.select %parallel_loop3A_724, %parallel_loop3A_660, %parallel_loop3A_726 : vector<16xi1>, vector<16xf32>
        %parallel_loop3A_728 = arith.select %parallel_loop3A_723, %parallel_loop3A_662, %parallel_loop3A_727 : vector<16xi1>, vector<16xf32>
        %parallel_loop3A_729 = arith.cmpf ole, %parallel_loop3A_681, %parallel_loop3A_728 : vector<16xf32>
        %parallel_loop3A_730 = arith.select %parallel_loop3A_729, %parallel_loop3A_722, %parallel_loop3A_654 : vector<16xi1>, vector<16xf32>
        %parallel_loop3A_731 = arith.cmpf ole, %parallel_loop3A_685, %parallel_loop3A_728 : vector<16xf32>
        %parallel_loop3A_732 = arith.select %parallel_loop3A_731, %parallel_loop3A_722, %parallel_loop3A_655 : vector<16xi1>, vector<16xf32>
        %parallel_loop3A_733 = arith.cmpf ole, %parallel_loop3A_688, %parallel_loop3A_728 : vector<16xf32>
        %parallel_loop3A_734 = arith.select %parallel_loop3A_733, %parallel_loop3A_722, %parallel_loop3A_656 : vector<16xi1>, vector<16xf32>
        %parallel_loop3A_735 = arith.cmpf ole, %parallel_loop3A_690, %parallel_loop3A_728 : vector<16xf32>
        %parallel_loop3A_736 = arith.select %parallel_loop3A_735, %parallel_loop3A_722, %parallel_loop3A_657 : vector<16xi1>, vector<16xf32>
        tpu.vector_store_idx %arg6[%parallel_loop3A_640, %parallel_loop3A_650], %parallel_loop3A_730 : memref<96x128xf32, #tpu.memory_space<vmem>>[vector<16xi32>, vector<16xi32>], vector<16xf32>,
        tpu.vector_store_idx %arg6[%parallel_loop3A_640, %parallel_loop3A_653], %parallel_loop3A_732 : memref<96x128xf32, #tpu.memory_space<vmem>>[vector<16xi32>, vector<16xi32>], vector<16xf32>,
        tpu.vector_store_idx %arg9[%parallel_loop3A_640, %parallel_loop3A_650], %parallel_loop3A_734 : memref<96x128xf32, #tpu.memory_space<vmem>>[vector<16xi32>, vector<16xi32>], vector<16xf32>,
        tpu.vector_store_idx %arg9[%parallel_loop3A_640, %parallel_loop3A_653], %parallel_loop3A_736 : memref<96x128xf32, #tpu.memory_space<vmem>>[vector<16xi32>, vector<16xi32>], vector<16xf32>,
        tpu.vector_store_idx %arg12[%parallel_loop3A_647, %parallel_loop3A_640], %parallel_loop3A_722 : memref<64x96xf32, #tpu.memory_space<vmem>>[vector<16xi32>, vector<16xi32>], vector<16xf32>,
      } {sc.loop_unroll_factor = 1 : i64, sc.parallel_access}
      %jit3A_265 = arith.constant 3 : i32
      %div3A_266 = arith.divsi %add3A_232, %jit3A_265 : i32
      %sign3A_267 = arith.constant 0 : i32
      %sign3A_268 = arith.cmpi sgt, %add3A_232, %sign3A_267 : i32
      %sign3A_269 = arith.extui %sign3A_268 : i1 to i32
      %sign3A_270 = arith.constant 0 : i32
      %sign3A_271 = arith.cmpi slt, %add3A_232, %sign3A_270 : i32
      %sign3A_272 = arith.extui %sign3A_271 : i1 to i32
      %sign3A_273 = arith.subi %sign3A_269, %sign3A_272 : i32
      %sign3A_274 = arith.constant 0 : i32
      %sign3A_275 = arith.cmpi sgt, %jit3A_265, %sign3A_274 : i32
      %sign3A_276 = arith.extui %sign3A_275 : i1 to i32
      %sign3A_277 = arith.constant 0 : i32
      %sign3A_278 = arith.cmpi slt, %jit3A_265, %sign3A_277 : i32
      %sign3A_279 = arith.extui %sign3A_278 : i1 to i32
      %sign3A_280 = arith.subi %sign3A_276, %sign3A_279 : i32
      %ne3A_281 = arith.cmpi ne, %sign3A_273, %sign3A_280 : i32
      %rem3A_282 = arith.remsi %add3A_232, %jit3A_265 : i32
      %ne3A_283 = arith.constant 0 : i32
      %ne3A_284 = arith.cmpi ne, %rem3A_282, %ne3A_283 : i32
      %and3A_285 = arith.andi %ne3A_281, %ne3A_284 : i1
      %sub3A_286 = arith.constant 1 : i32
      %sub3A_287 = arith.subi %div3A_266, %sub3A_286 : i32
      %select_n3A_288 = arith.select %and3A_285, %sub3A_287, %div3A_266 : i32
      %add3A_289 = arith.addi %mul3A_2, %select_n3A_288 : i32
      %jit3A_290 = arith.constant 3 : i32
      %div3A_291 = arith.divsi %add3A_232, %jit3A_290 : i32
      %sign3A_292 = arith.constant 0 : i32
      %sign3A_293 = arith.cmpi sgt, %add3A_232, %sign3A_292 : i32
      %sign3A_294 = arith.extui %sign3A_293 : i1 to i32
      %sign3A_295 = arith.constant 0 : i32
      %sign3A_296 = arith.cmpi slt, %add3A_232, %sign3A_295 : i32
      %sign3A_297 = arith.extui %sign3A_296 : i1 to i32
      %sign3A_298 = arith.subi %sign3A_294, %sign3A_297 : i32
      %sign3A_299 = arith.constant 0 : i32
      %sign3A_300 = arith.cmpi sgt, %jit3A_290, %sign3A_299 : i32
      %sign3A_301 = arith.extui %sign3A_300 : i1 to i32
      %sign3A_302 = arith.constant 0 : i32
      %sign3A_303 = arith.cmpi slt, %jit3A_290, %sign3A_302 : i32
      %sign3A_304 = arith.extui %sign3A_303 : i1 to i32
      %sign3A_305 = arith.subi %sign3A_301, %sign3A_304 : i32
      %ne3A_306 = arith.cmpi ne, %sign3A_298, %sign3A_305 : i32
      %rem3A_307 = arith.remsi %add3A_232, %jit3A_290 : i32
      %ne3A_308 = arith.constant 0 : i32
      %ne3A_309 = arith.cmpi ne, %rem3A_307, %ne3A_308 : i32
      %and3A_310 = arith.andi %ne3A_306, %ne3A_309 : i1
      %sub3A_311 = arith.constant 1 : i32
      %sub3A_312 = arith.subi %div3A_291, %sub3A_311 : i32
      %select_n3A_313 = arith.select %and3A_310, %sub3A_312, %div3A_291 : i32
      %mul3A_314 = arith.constant 3 : i32
      %mul3A_315 = arith.muli %select_n3A_313, %mul3A_314 : i32
      %sub3A_316 = arith.subi %add3A_232, %mul3A_315 : i32
      %mul3A_317 = arith.constant 192 : i32
      %mul3A_318 = arith.muli %select_n3A, %mul3A_317 : i32
      %sub3A_319 = arith.subi %add3A_289, %mul3A_318 : i32
      %mul3A_320 = arith.constant 2 : i32
      %mul3A_321 = arith.muli %mul3A_320, %sub3A_319 : i32
      %mul3A_322 = arith.constant 128 : i32
      %mul3A_323 = arith.muli %sub3A_316, %mul3A_322 : i32
      %dma_start3A_324 = arith.constant 0 : i32
      %dma_start3A_325 = tpu.memref_slice %arg4[%select_n3A, %mul3A_321, %dma_start3A_324, %mul3A_323] : memref<4x384x96x384xf32, #tpu.memory_space<hbm>> -> memref<1x1x96x128xf32, #tpu.memory_space<hbm>>
      %dma_start3A_326 = tpu.memref_squeeze %dma_start3A_325 : memref<1x1x96x128xf32, #tpu.memory_space<hbm>> -> memref<96x128xf32, #tpu.memory_space<hbm>>
      %dma_start3A_327 = arith.constant 0 : i32
      %dma_start3A_328 = tpu.memref_slice %arg4[%select_n3A, %mul3A_321, %dma_start3A_327, %mul3A_323] : memref<4x384x96x384xf32, #tpu.memory_space<hbm>> -> memref<1x1x96x128xf32, #tpu.memory_space<hbm>>
      %dma_start3A_329 = tpu.memref_squeeze %dma_start3A_328 : memref<1x1x96x128xf32, #tpu.memory_space<hbm>> -> memref<96x128xf32, #tpu.memory_space<hbm>>
      tpu.enqueue_dma source(%arg6 : memref<96x128xf32, #tpu.memory_space<vmem>>) target(%dma_start3A_329 : memref<96x128xf32, #tpu.memory_space<hbm>>) target_semaphore(%arg18 : memref<!tpu.dma_semaphore, #tpu.memory_space<semaphore_mem>>)
      %mul3A_330 = arith.constant 2 : i32
      %mul3A_331 = arith.muli %mul3A_330, %sub3A_319 : i32
      %add3A_332 = arith.constant 1 : i32
      %add3A_333 = arith.addi %mul3A_331, %add3A_332 : i32
      %mul3A_334 = arith.constant 128 : i32
      %mul3A_335 = arith.muli %sub3A_316, %mul3A_334 : i32
      %dma_start3A_336 = arith.constant 0 : i32
      %dma_start3A_337 = tpu.memref_slice %arg4[%select_n3A, %add3A_333, %dma_start3A_336, %mul3A_335] : memref<4x384x96x384xf32, #tpu.memory_space<hbm>> -> memref<1x1x96x128xf32, #tpu.memory_space<hbm>>
      %dma_start3A_338 = tpu.memref_squeeze %dma_start3A_337 : memref<1x1x96x128xf32, #tpu.memory_space<hbm>> -> memref<96x128xf32, #tpu.memory_space<hbm>>
      %dma_start3A_339 = arith.constant 0 : i32
      %dma_start3A_340 = tpu.memref_slice %arg4[%select_n3A, %add3A_333, %dma_start3A_339, %mul3A_335] : memref<4x384x96x384xf32, #tpu.memory_space<hbm>> -> memref<1x1x96x128xf32, #tpu.memory_space<hbm>>
      %dma_start3A_341 = tpu.memref_squeeze %dma_start3A_340 : memref<1x1x96x128xf32, #tpu.memory_space<hbm>> -> memref<96x128xf32, #tpu.memory_space<hbm>>
      tpu.enqueue_dma source(%arg9 : memref<96x128xf32, #tpu.memory_space<vmem>>) target(%dma_start3A_341 : memref<96x128xf32, #tpu.memory_space<hbm>>) target_semaphore(%arg18 : memref<!tpu.dma_semaphore, #tpu.memory_space<semaphore_mem>>)
      %mul3A_342 = arith.constant 64 : i32
      %mul3A_343 = arith.muli %sub3A_316, %mul3A_342 : i32
      %dma_start3A_344 = arith.constant 0 : i32
      %dma_start3A_345 = tpu.memref_slice %arg5[%select_n3A, %sub3A_319, %mul3A_343, %dma_start3A_344] : memref<4x192x192x96xf32, #tpu.memory_space<hbm>> -> memref<1x1x64x96xf32, #tpu.memory_space<hbm>>
      %dma_start3A_346 = tpu.memref_squeeze %dma_start3A_345 : memref<1x1x64x96xf32, #tpu.memory_space<hbm>> -> memref<64x96xf32, #tpu.memory_space<hbm>>
      %dma_start3A_347 = arith.constant 0 : i32
      %dma_start3A_348 = tpu.memref_slice %arg5[%select_n3A, %sub3A_319, %mul3A_343, %dma_start3A_347] : memref<4x192x192x96xf32, #tpu.memory_space<hbm>> -> memref<1x1x64x96xf32, #tpu.memory_space<hbm>>
      %dma_start3A_349 = tpu.memref_squeeze %dma_start3A_348 : memref<1x1x64x96xf32, #tpu.memory_space<hbm>> -> memref<64x96xf32, #tpu.memory_space<hbm>>
      tpu.enqueue_dma source(%arg12 : memref<64x96xf32, #tpu.memory_space<vmem>>) target(%dma_start3A_349 : memref<64x96xf32, #tpu.memory_space<hbm>>) target_semaphore(%arg18 : memref<!tpu.dma_semaphore, #tpu.memory_space<semaphore_mem>>)
      %ge3A = arith.constant 1 : i32
      %ge3A_350 = arith.cmpi sge, %add3A_232, %ge3A : i32
      %convert_element_type3A = arith.extui %ge3A_350 : i1 to i32
      %cond3A = arith.constant 0 : i32
      %cond3A_351 = arith.cmpi ne, %convert_element_type3A, %cond3A : i32
      scf.if %cond3A_351 {
        %dma_wait3A_626 = arith.constant 0 : i32
        %dma_wait3A_627 = arith.constant 0 : i32
        %dma_wait3A_628 = arith.constant 0 : i32
        %dma_wait3A_629 = arith.constant 0 : i32
        %dma_wait3A_630 = tpu.memref_slice %arg4[%dma_wait3A_626, %dma_wait3A_627, %dma_wait3A_628, %dma_wait3A_629] : memref<4x384x96x384xf32, #tpu.memory_space<hbm>> -> memref<1x1x96x128xf32, #tpu.memory_space<hbm>>
        %dma_wait3A_631 = tpu.memref_squeeze %dma_wait3A_630 : memref<1x1x96x128xf32, #tpu.memory_space<hbm>> -> memref<96x128xf32, #tpu.memory_space<hbm>>
        %dma_wait3A_632 = arith.constant 0 : i32
        %dma_wait3A_633 = arith.constant 0 : i32
        %dma_wait3A_634 = tpu.memref_slice %arg4[%dma_wait3A_626, %dma_wait3A_627, %dma_wait3A_632, %dma_wait3A_633] : memref<4x384x96x384xf32, #tpu.memory_space<hbm>> -> memref<1x1x96x128xf32, #tpu.memory_space<hbm>>
        %dma_wait3A_635 = tpu.memref_squeeze %dma_wait3A_634 : memref<1x1x96x128xf32, #tpu.memory_space<hbm>> -> memref<96x128xf32, #tpu.memory_space<hbm>>
        tpu.wait_dma2 semaphore(%arg20 : memref<!tpu.dma_semaphore, #tpu.memory_space<semaphore_mem>>) src(%arg8 : memref<96x128xf32, #tpu.memory_space<vmem>>) dst(%dma_wait3A_635 : memref<96x128xf32, #tpu.memory_space<hbm>>)
        %dma_wait3A_636 = arith.constant 0 : i32
        %dma_wait3A_637 = arith.constant 0 : i32
        %dma_wait3A_638 = arith.constant 0 : i32
        %dma_wait3A_639 = arith.constant 0 : i32
        %dma_wait3A_640 = tpu.memref_slice %arg4[%dma_wait3A_636, %dma_wait3A_637, %dma_wait3A_638, %dma_wait3A_639] : memref<4x384x96x384xf32, #tpu.memory_space<hbm>> -> memref<1x1x96x128xf32, #tpu.memory_space<hbm>>
        %dma_wait3A_641 = tpu.memref_squeeze %dma_wait3A_640 : memref<1x1x96x128xf32, #tpu.memory_space<hbm>> -> memref<96x128xf32, #tpu.memory_space<hbm>>
        %dma_wait3A_642 = arith.constant 0 : i32
        %dma_wait3A_643 = arith.constant 0 : i32
        %dma_wait3A_644 = tpu.memref_slice %arg4[%dma_wait3A_636, %dma_wait3A_637, %dma_wait3A_642, %dma_wait3A_643] : memref<4x384x96x384xf32, #tpu.memory_space<hbm>> -> memref<1x1x96x128xf32, #tpu.memory_space<hbm>>
        %dma_wait3A_645 = tpu.memref_squeeze %dma_wait3A_644 : memref<1x1x96x128xf32, #tpu.memory_space<hbm>> -> memref<96x128xf32, #tpu.memory_space<hbm>>
        tpu.wait_dma2 semaphore(%arg20 : memref<!tpu.dma_semaphore, #tpu.memory_space<semaphore_mem>>) src(%arg11 : memref<96x128xf32, #tpu.memory_space<vmem>>) dst(%dma_wait3A_645 : memref<96x128xf32, #tpu.memory_space<hbm>>)
        %dma_wait3A_646 = arith.constant 0 : i32
        %dma_wait3A_647 = arith.constant 0 : i32
        %dma_wait3A_648 = arith.constant 0 : i32
        %dma_wait3A_649 = arith.constant 0 : i32
        %dma_wait3A_650 = tpu.memref_slice %arg5[%dma_wait3A_646, %dma_wait3A_647, %dma_wait3A_648, %dma_wait3A_649] : memref<4x192x192x96xf32, #tpu.memory_space<hbm>> -> memref<1x1x64x96xf32, #tpu.memory_space<hbm>>
        %dma_wait3A_651 = tpu.memref_squeeze %dma_wait3A_650 : memref<1x1x64x96xf32, #tpu.memory_space<hbm>> -> memref<64x96xf32, #tpu.memory_space<hbm>>
        %dma_wait3A_652 = arith.constant 0 : i32
        %dma_wait3A_653 = arith.constant 0 : i32
        %dma_wait3A_654 = tpu.memref_slice %arg5[%dma_wait3A_646, %dma_wait3A_647, %dma_wait3A_652, %dma_wait3A_653] : memref<4x192x192x96xf32, #tpu.memory_space<hbm>> -> memref<1x1x64x96xf32, #tpu.memory_space<hbm>>
        %dma_wait3A_655 = tpu.memref_squeeze %dma_wait3A_654 : memref<1x1x64x96xf32, #tpu.memory_space<hbm>> -> memref<64x96xf32, #tpu.memory_space<hbm>>
        tpu.wait_dma2 semaphore(%arg20 : memref<!tpu.dma_semaphore, #tpu.memory_space<semaphore_mem>>) src(%arg14 : memref<64x96xf32, #tpu.memory_space<vmem>>) dst(%dma_wait3A_655 : memref<64x96xf32, #tpu.memory_space<hbm>>)
      } else {
      }
      %add3A_352 = arith.constant 2 : i32
      %add3A_353 = arith.addi %add3A_232, %add3A_352 : i32
      %lt3A = arith.constant 72 : i32
      %lt3A_354 = arith.cmpi slt, %add3A_353, %lt3A : i32
      %convert_element_type3A_355 = arith.extui %lt3A_354 : i1 to i32
      %cond3A_356 = arith.constant 0 : i32
      %cond3A_357 = arith.cmpi ne, %convert_element_type3A_355, %cond3A_356 : i32
      scf.if %cond3A_357 {
        %add3A_626 = arith.constant 2 : i32
        %add3A_627 = arith.addi %add3A_232, %add3A_626 : i32
        %jit3A_628 = arith.constant 3 : i32
        %div3A_629 = arith.divsi %add3A_627, %jit3A_628 : i32
        %sign3A_630 = arith.constant 0 : i32
        %sign3A_631 = arith.cmpi sgt, %add3A_627, %sign3A_630 : i32
        %sign3A_632 = arith.extui %sign3A_631 : i1 to i32
        %sign3A_633 = arith.constant 0 : i32
        %sign3A_634 = arith.cmpi slt, %add3A_627, %sign3A_633 : i32
        %sign3A_635 = arith.extui %sign3A_634 : i1 to i32
        %sign3A_636 = arith.subi %sign3A_632, %sign3A_635 : i32
        %sign3A_637 = arith.constant 0 : i32
        %sign3A_638 = arith.cmpi sgt, %jit3A_628, %sign3A_637 : i32
        %sign3A_639 = arith.extui %sign3A_638 : i1 to i32
        %sign3A_640 = arith.constant 0 : i32
        %sign3A_641 = arith.cmpi slt, %jit3A_628, %sign3A_640 : i32
        %sign3A_642 = arith.extui %sign3A_641 : i1 to i32
        %sign3A_643 = arith.subi %sign3A_639, %sign3A_642 : i32
        %ne3A_644 = arith.cmpi ne, %sign3A_636, %sign3A_643 : i32
        %rem3A_645 = arith.remsi %add3A_627, %jit3A_628 : i32
        %ne3A_646 = arith.constant 0 : i32
        %ne3A_647 = arith.cmpi ne, %rem3A_645, %ne3A_646 : i32
        %and3A_648 = arith.andi %ne3A_644, %ne3A_647 : i1
        %sub3A_649 = arith.constant 1 : i32
        %sub3A_650 = arith.subi %div3A_629, %sub3A_649 : i32
        %select_n3A_651 = arith.select %and3A_648, %sub3A_650, %div3A_629 : i32
        %add3A_652 = arith.addi %mul3A_2, %select_n3A_651 : i32
        %jit3A_653 = arith.constant 3 : i32
        %div3A_654 = arith.divsi %add3A_627, %jit3A_653 : i32
        %sign3A_655 = arith.constant 0 : i32
        %sign3A_656 = arith.cmpi sgt, %add3A_627, %sign3A_655 : i32
        %sign3A_657 = arith.extui %sign3A_656 : i1 to i32
        %sign3A_658 = arith.constant 0 : i32
        %sign3A_659 = arith.cmpi slt, %add3A_627, %sign3A_658 : i32
        %sign3A_660 = arith.extui %sign3A_659 : i1 to i32
        %sign3A_661 = arith.subi %sign3A_657, %sign3A_660 : i32
        %sign3A_662 = arith.constant 0 : i32
        %sign3A_663 = arith.cmpi sgt, %jit3A_653, %sign3A_662 : i32
        %sign3A_664 = arith.extui %sign3A_663 : i1 to i32
        %sign3A_665 = arith.constant 0 : i32
        %sign3A_666 = arith.cmpi slt, %jit3A_653, %sign3A_665 : i32
        %sign3A_667 = arith.extui %sign3A_666 : i1 to i32
        %sign3A_668 = arith.subi %sign3A_664, %sign3A_667 : i32
        %ne3A_669 = arith.cmpi ne, %sign3A_661, %sign3A_668 : i32
        %rem3A_670 = arith.remsi %add3A_627, %jit3A_653 : i32
        %ne3A_671 = arith.constant 0 : i32
        %ne3A_672 = arith.cmpi ne, %rem3A_670, %ne3A_671 : i32
        %and3A_673 = arith.andi %ne3A_669, %ne3A_672 : i1
        %sub3A_674 = arith.constant 1 : i32
        %sub3A_675 = arith.subi %div3A_654, %sub3A_674 : i32
        %select_n3A_676 = arith.select %and3A_673, %sub3A_675, %div3A_654 : i32
        %mul3A_677 = arith.constant 3 : i32
        %mul3A_678 = arith.muli %select_n3A_676, %mul3A_677 : i32
        %sub3A_679 = arith.subi %add3A_627, %mul3A_678 : i32
        %mul3A_680 = arith.constant 192 : i32
        %mul3A_681 = arith.muli %select_n3A, %mul3A_680 : i32
        %sub3A_682 = arith.subi %add3A_652, %mul3A_681 : i32
        %mul3A_683 = arith.constant 2 : i32
        %mul3A_684 = arith.muli %mul3A_683, %sub3A_682 : i32
        %mul3A_685 = arith.constant 128 : i32
        %mul3A_686 = arith.muli %sub3A_679, %mul3A_685 : i32
        %dma_start3A_687 = arith.constant 0 : i32
        %dma_start3A_688 = tpu.memref_slice %arg2[%select_n3A, %mul3A_684, %dma_start3A_687, %mul3A_686] : memref<4x384x96x384xf32, #tpu.memory_space<hbm>> -> memref<1x1x96x128xf32, #tpu.memory_space<hbm>>
        %dma_start3A_689 = tpu.memref_squeeze %dma_start3A_688 : memref<1x1x96x128xf32, #tpu.memory_space<hbm>> -> memref<96x128xf32, #tpu.memory_space<hbm>>
        %dma_start3A_690 = arith.constant 0 : i32
        %dma_start3A_691 = tpu.memref_slice %arg2[%select_n3A, %mul3A_684, %dma_start3A_690, %mul3A_686] : memref<4x384x96x384xf32, #tpu.memory_space<hbm>> -> memref<1x1x96x128xf32, #tpu.memory_space<hbm>>
        %dma_start3A_692 = tpu.memref_squeeze %dma_start3A_691 : memref<1x1x96x128xf32, #tpu.memory_space<hbm>> -> memref<96x128xf32, #tpu.memory_space<hbm>>
        tpu.enqueue_dma source(%dma_start3A_692 : memref<96x128xf32, #tpu.memory_space<hbm>>) target(%arg8 : memref<96x128xf32, #tpu.memory_space<vmem>>) target_semaphore(%arg17 : memref<!tpu.dma_semaphore, #tpu.memory_space<semaphore_mem>>)
        %mul3A_693 = arith.constant 2 : i32
        %mul3A_694 = arith.muli %mul3A_693, %sub3A_682 : i32
        %add3A_695 = arith.constant 1 : i32
        %add3A_696 = arith.addi %mul3A_694, %add3A_695 : i32
        %mul3A_697 = arith.constant 128 : i32
        %mul3A_698 = arith.muli %sub3A_679, %mul3A_697 : i32
        %dma_start3A_699 = arith.constant 0 : i32
        %dma_start3A_700 = tpu.memref_slice %arg2[%select_n3A, %add3A_696, %dma_start3A_699, %mul3A_698] : memref<4x384x96x384xf32, #tpu.memory_space<hbm>> -> memref<1x1x96x128xf32, #tpu.memory_space<hbm>>
        %dma_start3A_701 = tpu.memref_squeeze %dma_start3A_700 : memref<1x1x96x128xf32, #tpu.memory_space<hbm>> -> memref<96x128xf32, #tpu.memory_space<hbm>>
        %dma_start3A_702 = arith.constant 0 : i32
        %dma_start3A_703 = tpu.memref_slice %arg2[%select_n3A, %add3A_696, %dma_start3A_702, %mul3A_698] : memref<4x384x96x384xf32, #tpu.memory_space<hbm>> -> memref<1x1x96x128xf32, #tpu.memory_space<hbm>>
        %dma_start3A_704 = tpu.memref_squeeze %dma_start3A_703 : memref<1x1x96x128xf32, #tpu.memory_space<hbm>> -> memref<96x128xf32, #tpu.memory_space<hbm>>
        tpu.enqueue_dma source(%dma_start3A_704 : memref<96x128xf32, #tpu.memory_space<hbm>>) target(%arg11 : memref<96x128xf32, #tpu.memory_space<vmem>>) target_semaphore(%arg17 : memref<!tpu.dma_semaphore, #tpu.memory_space<semaphore_mem>>)
        %mul3A_705 = arith.constant 64 : i32
        %mul3A_706 = arith.muli %sub3A_679, %mul3A_705 : i32
        %dma_start3A_707 = arith.constant 0 : i32
        %dma_start3A_708 = tpu.memref_slice %arg3[%select_n3A, %sub3A_682, %mul3A_706, %dma_start3A_707] : memref<4x192x192x96xf32, #tpu.memory_space<hbm>> -> memref<1x1x64x96xf32, #tpu.memory_space<hbm>>
        %dma_start3A_709 = tpu.memref_squeeze %dma_start3A_708 : memref<1x1x64x96xf32, #tpu.memory_space<hbm>> -> memref<64x96xf32, #tpu.memory_space<hbm>>
        %dma_start3A_710 = arith.constant 0 : i32
        %dma_start3A_711 = tpu.memref_slice %arg3[%select_n3A, %sub3A_682, %mul3A_706, %dma_start3A_710] : memref<4x192x192x96xf32, #tpu.memory_space<hbm>> -> memref<1x1x64x96xf32, #tpu.memory_space<hbm>>
        %dma_start3A_712 = tpu.memref_squeeze %dma_start3A_711 : memref<1x1x64x96xf32, #tpu.memory_space<hbm>> -> memref<64x96xf32, #tpu.memory_space<hbm>>
        tpu.enqueue_dma source(%dma_start3A_712 : memref<64x96xf32, #tpu.memory_space<hbm>>) target(%arg14 : memref<64x96xf32, #tpu.memory_space<vmem>>) target_semaphore(%arg17 : memref<!tpu.dma_semaphore, #tpu.memory_space<semaphore_mem>>)
      } else {
      }
      %mul3A_358 = arith.constant 3 : i32
      %mul3A_359 = arith.muli %scan3A_228, %mul3A_358 : i32
      %add3A_360 = arith.constant 1 : i32
      %add3A_361 = arith.addi %mul3A_359, %add3A_360 : i32
      %dma_wait3A_362 = arith.constant 0 : i32
      %dma_wait3A_363 = arith.constant 0 : i32
      %dma_wait3A_364 = arith.constant 0 : i32
      %dma_wait3A_365 = arith.constant 0 : i32
      %dma_wait3A_366 = tpu.memref_slice %arg2[%dma_wait3A_362, %dma_wait3A_363, %dma_wait3A_364, %dma_wait3A_365] : memref<4x384x96x384xf32, #tpu.memory_space<hbm>> -> memref<1x1x96x128xf32, #tpu.memory_space<hbm>>
      %dma_wait3A_367 = tpu.memref_squeeze %dma_wait3A_366 : memref<1x1x96x128xf32, #tpu.memory_space<hbm>> -> memref<96x128xf32, #tpu.memory_space<hbm>>
      %dma_wait3A_368 = arith.constant 0 : i32
      %dma_wait3A_369 = arith.constant 0 : i32
      %dma_wait3A_370 = tpu.memref_slice %arg2[%dma_wait3A_362, %dma_wait3A_363, %dma_wait3A_368, %dma_wait3A_369] : memref<4x384x96x384xf32, #tpu.memory_space<hbm>> -> memref<1x1x96x128xf32, #tpu.memory_space<hbm>>
      %dma_wait3A_371 = tpu.memref_squeeze %dma_wait3A_370 : memref<1x1x96x128xf32, #tpu.memory_space<hbm>> -> memref<96x128xf32, #tpu.memory_space<hbm>>
      tpu.wait_dma2 semaphore(%arg16 : memref<!tpu.dma_semaphore, #tpu.memory_space<semaphore_mem>>) src(%dma_wait3A_371 : memref<96x128xf32, #tpu.memory_space<hbm>>) dst(%arg7 : memref<96x128xf32, #tpu.memory_space<vmem>>)
      %dma_wait3A_372 = arith.constant 0 : i32
      %dma_wait3A_373 = arith.constant 0 : i32
      %dma_wait3A_374 = arith.constant 0 : i32
      %dma_wait3A_375 = arith.constant 0 : i32
      %dma_wait3A_376 = tpu.memref_slice %arg2[%dma_wait3A_372, %dma_wait3A_373, %dma_wait3A_374, %dma_wait3A_375] : memref<4x384x96x384xf32, #tpu.memory_space<hbm>> -> memref<1x1x96x128xf32, #tpu.memory_space<hbm>>
      %dma_wait3A_377 = tpu.memref_squeeze %dma_wait3A_376 : memref<1x1x96x128xf32, #tpu.memory_space<hbm>> -> memref<96x128xf32, #tpu.memory_space<hbm>>
      %dma_wait3A_378 = arith.constant 0 : i32
      %dma_wait3A_379 = arith.constant 0 : i32
      %dma_wait3A_380 = tpu.memref_slice %arg2[%dma_wait3A_372, %dma_wait3A_373, %dma_wait3A_378, %dma_wait3A_379] : memref<4x384x96x384xf32, #tpu.memory_space<hbm>> -> memref<1x1x96x128xf32, #tpu.memory_space<hbm>>
      %dma_wait3A_381 = tpu.memref_squeeze %dma_wait3A_380 : memref<1x1x96x128xf32, #tpu.memory_space<hbm>> -> memref<96x128xf32, #tpu.memory_space<hbm>>
      tpu.wait_dma2 semaphore(%arg16 : memref<!tpu.dma_semaphore, #tpu.memory_space<semaphore_mem>>) src(%dma_wait3A_381 : memref<96x128xf32, #tpu.memory_space<hbm>>) dst(%arg10 : memref<96x128xf32, #tpu.memory_space<vmem>>)
      %dma_wait3A_382 = arith.constant 0 : i32
      %dma_wait3A_383 = arith.constant 0 : i32
      %dma_wait3A_384 = arith.constant 0 : i32
      %dma_wait3A_385 = arith.constant 0 : i32
      %dma_wait3A_386 = tpu.memref_slice %arg3[%dma_wait3A_382, %dma_wait3A_383, %dma_wait3A_384, %dma_wait3A_385] : memref<4x192x192x96xf32, #tpu.memory_space<hbm>> -> memref<1x1x64x96xf32, #tpu.memory_space<hbm>>
      %dma_wait3A_387 = tpu.memref_squeeze %dma_wait3A_386 : memref<1x1x64x96xf32, #tpu.memory_space<hbm>> -> memref<64x96xf32, #tpu.memory_space<hbm>>
      %dma_wait3A_388 = arith.constant 0 : i32
      %dma_wait3A_389 = arith.constant 0 : i32
      %dma_wait3A_390 = tpu.memref_slice %arg3[%dma_wait3A_382, %dma_wait3A_383, %dma_wait3A_388, %dma_wait3A_389] : memref<4x192x192x96xf32, #tpu.memory_space<hbm>> -> memref<1x1x64x96xf32, #tpu.memory_space<hbm>>
      %dma_wait3A_391 = tpu.memref_squeeze %dma_wait3A_390 : memref<1x1x64x96xf32, #tpu.memory_space<hbm>> -> memref<64x96xf32, #tpu.memory_space<hbm>>
      tpu.wait_dma2 semaphore(%arg16 : memref<!tpu.dma_semaphore, #tpu.memory_space<semaphore_mem>>) src(%dma_wait3A_391 : memref<64x96xf32, #tpu.memory_space<hbm>>) dst(%arg13 : memref<64x96xf32, #tpu.memory_space<vmem>>)
      %parallel_loop3A_392 = arith.constant 0 : i32
      %parallel_loop3A_393 = arith.constant 384 : i32
      %parallel_loop3A_394 = arith.constant 1 : i32
      scf.for %parallel_loop3A_626 = %parallel_loop3A_392 to %parallel_loop3A_393 step %parallel_loop3A_394  : i32 {
        %parallel_loop3A_627 = arith.constant 6 : i32
        %parallel_loop3A_628 = arith.shrui %parallel_loop3A_626, %parallel_loop3A_627 : i32
        %parallel_loop3A_629 = arith.constant 4 : i32
        %parallel_loop3A_630 = arith.shli %parallel_loop3A_628, %parallel_loop3A_629 : i32
        %parallel_loop3A_631 = arith.constant 4 : i32
        %parallel_loop3A_632 = arith.shrui %parallel_loop3A_626, %parallel_loop3A_631 : i32
        %parallel_loop3A_633 = arith.constant 3 : i32
        %parallel_loop3A_634 = arith.andi %parallel_loop3A_632, %parallel_loop3A_633 : i32
        %parallel_loop3A_635 = arith.constant 4 : i32
        %parallel_loop3A_636 = arith.shli %parallel_loop3A_634, %parallel_loop3A_635 : i32
        %parallel_loop3A_637 = arith.constant 15 : i32
        %parallel_loop3A_638 = arith.andi %parallel_loop3A_626, %parallel_loop3A_637 : i32
        %parallel_loop3A_639 = vector.broadcast %parallel_loop3A_630 : i32 to vector<16xi32>
        %parallel_loop3A_640 = arith.addi %parallel_loop3A_639, %iota3A : vector<16xi32>
        %parallel_loop3A_641 = vector.broadcast %parallel_loop3A_638 : i32 to vector<16xi32>
        %parallel_loop3A_642 = arith.addi %iota3A, %parallel_loop3A_641 : vector<16xi32>
        %parallel_loop3A_643 = arith.constant 15 : i32
        %parallel_loop3A_644 = vector.broadcast %parallel_loop3A_643 : i32 to vector<16xi32>
        %parallel_loop3A_645 = arith.andi %parallel_loop3A_642, %parallel_loop3A_644 : vector<16xi32>
        %parallel_loop3A_646 = vector.broadcast %parallel_loop3A_636 : i32 to vector<16xi32>
        %parallel_loop3A_647 = arith.addi %parallel_loop3A_646, %parallel_loop3A_645 : vector<16xi32>
        %parallel_loop3A_648 = arith.constant 2 : i32
        %parallel_loop3A_649 = vector.broadcast %parallel_loop3A_648 : i32 to vector<16xi32>
        %parallel_loop3A_650 = arith.muli %parallel_loop3A_647, %parallel_loop3A_649 : vector<16xi32>
        %parallel_loop3A_651 = arith.constant 1 : i32
        %parallel_loop3A_652 = vector.broadcast %parallel_loop3A_651 : i32 to vector<16xi32>
        %parallel_loop3A_653 = arith.addi %parallel_loop3A_650, %parallel_loop3A_652 : vector<16xi32>
        %parallel_loop3A_654 = tpu.vector_load_idx %arg7[%parallel_loop3A_640, %parallel_loop3A_650] : memref<96x128xf32, #tpu.memory_space<vmem>>[vector<16xi32>, vector<16xi32>], vector<16xf32>,
        %parallel_loop3A_655 = tpu.vector_load_idx %arg7[%parallel_loop3A_640, %parallel_loop3A_653] : memref<96x128xf32, #tpu.memory_space<vmem>>[vector<16xi32>, vector<16xi32>], vector<16xf32>,
        %parallel_loop3A_656 = tpu.vector_load_idx %arg10[%parallel_loop3A_640, %parallel_loop3A_650] : memref<96x128xf32, #tpu.memory_space<vmem>>[vector<16xi32>, vector<16xi32>], vector<16xf32>,
        %parallel_loop3A_657 = tpu.vector_load_idx %arg10[%parallel_loop3A_640, %parallel_loop3A_653] : memref<96x128xf32, #tpu.memory_space<vmem>>[vector<16xi32>, vector<16xi32>], vector<16xf32>,
        %parallel_loop3A_658 = tpu.vector_load_idx %arg13[%parallel_loop3A_647, %parallel_loop3A_640] : memref<64x96xf32, #tpu.memory_space<vmem>>[vector<16xi32>, vector<16xi32>], vector<16xf32>,
        %parallel_loop3A_659 = arith.constant 1.000000e+00 : f32
        %parallel_loop3A_660 = vector.broadcast %parallel_loop3A_659 : f32 to vector<16xf32>
        %parallel_loop3A_661 = arith.constant 0.000000e+00 : f32
        %parallel_loop3A_662 = vector.broadcast %parallel_loop3A_661 : f32 to vector<16xf32>
        %parallel_loop3A_663 = arith.constant 2.000000e+00 : f32
        %parallel_loop3A_664 = vector.broadcast %parallel_loop3A_663 : f32 to vector<16xf32>
        %parallel_loop3A_665 = arith.constant 3.000000e+00 : f32
        %parallel_loop3A_666 = vector.broadcast %parallel_loop3A_665 : f32 to vector<16xf32>
        %parallel_loop3A_667 = arith.cmpf oge, %parallel_loop3A_654, %parallel_loop3A_655 : vector<16xf32>
        %parallel_loop3A_668 = arith.select %parallel_loop3A_667, %parallel_loop3A_660, %parallel_loop3A_662 : vector<16xi1>, vector<16xf32>
        %parallel_loop3A_669 = arith.cmpf oge, %parallel_loop3A_654, %parallel_loop3A_656 : vector<16xf32>
        %parallel_loop3A_670 = arith.select %parallel_loop3A_669, %parallel_loop3A_660, %parallel_loop3A_662 : vector<16xi1>, vector<16xf32>
        %parallel_loop3A_671 = arith.cmpf oge, %parallel_loop3A_654, %parallel_loop3A_657 : vector<16xf32>
        %parallel_loop3A_672 = arith.select %parallel_loop3A_671, %parallel_loop3A_660, %parallel_loop3A_662 : vector<16xi1>, vector<16xf32>
        %parallel_loop3A_673 = arith.cmpf oge, %parallel_loop3A_655, %parallel_loop3A_656 : vector<16xf32>
        %parallel_loop3A_674 = arith.select %parallel_loop3A_673, %parallel_loop3A_660, %parallel_loop3A_662 : vector<16xi1>, vector<16xf32>
        %parallel_loop3A_675 = arith.cmpf oge, %parallel_loop3A_655, %parallel_loop3A_657 : vector<16xf32>
        %parallel_loop3A_676 = arith.select %parallel_loop3A_675, %parallel_loop3A_660, %parallel_loop3A_662 : vector<16xi1>, vector<16xf32>
        %parallel_loop3A_677 = arith.cmpf oge, %parallel_loop3A_656, %parallel_loop3A_657 : vector<16xf32>
        %parallel_loop3A_678 = arith.select %parallel_loop3A_677, %parallel_loop3A_660, %parallel_loop3A_662 : vector<16xi1>, vector<16xf32>
        %parallel_loop3A_679 = arith.addf %parallel_loop3A_668, %parallel_loop3A_670 : vector<16xf32>
        %parallel_loop3A_680 = arith.addf %parallel_loop3A_679, %parallel_loop3A_672 : vector<16xf32>
        %parallel_loop3A_681 = arith.subf %parallel_loop3A_666, %parallel_loop3A_680 : vector<16xf32>
        %parallel_loop3A_682 = arith.subf %parallel_loop3A_660, %parallel_loop3A_674 : vector<16xf32>
        %parallel_loop3A_683 = arith.addf %parallel_loop3A_668, %parallel_loop3A_682 : vector<16xf32>
        %parallel_loop3A_684 = arith.subf %parallel_loop3A_660, %parallel_loop3A_676 : vector<16xf32>
        %parallel_loop3A_685 = arith.addf %parallel_loop3A_683, %parallel_loop3A_684 : vector<16xf32>
        %parallel_loop3A_686 = arith.addf %parallel_loop3A_670, %parallel_loop3A_674 : vector<16xf32>
        %parallel_loop3A_687 = arith.subf %parallel_loop3A_660, %parallel_loop3A_678 : vector<16xf32>
        %parallel_loop3A_688 = arith.addf %parallel_loop3A_686, %parallel_loop3A_687 : vector<16xf32>
        %parallel_loop3A_689 = arith.addf %parallel_loop3A_672, %parallel_loop3A_676 : vector<16xf32>
        %parallel_loop3A_690 = arith.addf %parallel_loop3A_689, %parallel_loop3A_678 : vector<16xf32>
        %parallel_loop3A_691 = arith.maximumf %parallel_loop3A_654, %parallel_loop3A_655 : vector<16xf32>
        %parallel_loop3A_692 = arith.minimumf %parallel_loop3A_654, %parallel_loop3A_655 : vector<16xf32>
        %parallel_loop3A_693 = arith.maximumf %parallel_loop3A_656, %parallel_loop3A_657 : vector<16xf32>
        %parallel_loop3A_694 = arith.minimumf %parallel_loop3A_656, %parallel_loop3A_657 : vector<16xf32>
        %parallel_loop3A_695 = arith.maximumf %parallel_loop3A_691, %parallel_loop3A_693 : vector<16xf32>
        %parallel_loop3A_696 = arith.minimumf %parallel_loop3A_692, %parallel_loop3A_694 : vector<16xf32>
        %parallel_loop3A_697 = arith.minimumf %parallel_loop3A_691, %parallel_loop3A_693 : vector<16xf32>
        %parallel_loop3A_698 = arith.maximumf %parallel_loop3A_692, %parallel_loop3A_694 : vector<16xf32>
        %parallel_loop3A_699 = arith.maximumf %parallel_loop3A_697, %parallel_loop3A_698 : vector<16xf32>
        %parallel_loop3A_700 = arith.minimumf %parallel_loop3A_697, %parallel_loop3A_698 : vector<16xf32>
        %parallel_loop3A_701 = arith.addf %parallel_loop3A_695, %parallel_loop3A_699 : vector<16xf32>
        %parallel_loop3A_702 = arith.addf %parallel_loop3A_701, %parallel_loop3A_700 : vector<16xf32>
        %parallel_loop3A_703 = arith.addf %parallel_loop3A_702, %parallel_loop3A_696 : vector<16xf32>
        %parallel_loop3A_704 = arith.addf %parallel_loop3A_695, %parallel_loop3A_658 : vector<16xf32>
        %parallel_loop3A_705 = arith.constant 5.000000e-01 : f32
        %parallel_loop3A_706 = vector.broadcast %parallel_loop3A_705 : f32 to vector<16xf32>
        %parallel_loop3A_707 = arith.mulf %parallel_loop3A_704, %parallel_loop3A_706 : vector<16xf32>
        %parallel_loop3A_708 = arith.addf %parallel_loop3A_701, %parallel_loop3A_658 : vector<16xf32>
        %parallel_loop3A_709 = arith.constant 0.333333343 : f32
        %parallel_loop3A_710 = vector.broadcast %parallel_loop3A_709 : f32 to vector<16xf32>
        %parallel_loop3A_711 = arith.mulf %parallel_loop3A_708, %parallel_loop3A_710 : vector<16xf32>
        %parallel_loop3A_712 = arith.addf %parallel_loop3A_702, %parallel_loop3A_658 : vector<16xf32>
        %parallel_loop3A_713 = arith.constant 2.500000e-01 : f32
        %parallel_loop3A_714 = vector.broadcast %parallel_loop3A_713 : f32 to vector<16xf32>
        %parallel_loop3A_715 = arith.mulf %parallel_loop3A_712, %parallel_loop3A_714 : vector<16xf32>
        %parallel_loop3A_716 = arith.addf %parallel_loop3A_703, %parallel_loop3A_658 : vector<16xf32>
        %parallel_loop3A_717 = arith.constant 2.000000e-01 : f32
        %parallel_loop3A_718 = vector.broadcast %parallel_loop3A_717 : f32 to vector<16xf32>
        %parallel_loop3A_719 = arith.mulf %parallel_loop3A_716, %parallel_loop3A_718 : vector<16xf32>
        %parallel_loop3A_720 = arith.maximumf %parallel_loop3A_707, %parallel_loop3A_711 : vector<16xf32>
        %parallel_loop3A_721 = arith.maximumf %parallel_loop3A_715, %parallel_loop3A_719 : vector<16xf32>
        %parallel_loop3A_722 = arith.maximumf %parallel_loop3A_720, %parallel_loop3A_721 : vector<16xf32>
        %parallel_loop3A_723 = arith.cmpf oge, %parallel_loop3A_707, %parallel_loop3A_722 : vector<16xf32>
        %parallel_loop3A_724 = arith.cmpf oge, %parallel_loop3A_711, %parallel_loop3A_722 : vector<16xf32>
        %parallel_loop3A_725 = arith.cmpf oge, %parallel_loop3A_715, %parallel_loop3A_722 : vector<16xf32>
        %parallel_loop3A_726 = arith.select %parallel_loop3A_725, %parallel_loop3A_664, %parallel_loop3A_666 : vector<16xi1>, vector<16xf32>
        %parallel_loop3A_727 = arith.select %parallel_loop3A_724, %parallel_loop3A_660, %parallel_loop3A_726 : vector<16xi1>, vector<16xf32>
        %parallel_loop3A_728 = arith.select %parallel_loop3A_723, %parallel_loop3A_662, %parallel_loop3A_727 : vector<16xi1>, vector<16xf32>
        %parallel_loop3A_729 = arith.cmpf ole, %parallel_loop3A_681, %parallel_loop3A_728 : vector<16xf32>
        %parallel_loop3A_730 = arith.select %parallel_loop3A_729, %parallel_loop3A_722, %parallel_loop3A_654 : vector<16xi1>, vector<16xf32>
        %parallel_loop3A_731 = arith.cmpf ole, %parallel_loop3A_685, %parallel_loop3A_728 : vector<16xf32>
        %parallel_loop3A_732 = arith.select %parallel_loop3A_731, %parallel_loop3A_722, %parallel_loop3A_655 : vector<16xi1>, vector<16xf32>
        %parallel_loop3A_733 = arith.cmpf ole, %parallel_loop3A_688, %parallel_loop3A_728 : vector<16xf32>
        %parallel_loop3A_734 = arith.select %parallel_loop3A_733, %parallel_loop3A_722, %parallel_loop3A_656 : vector<16xi1>, vector<16xf32>
        %parallel_loop3A_735 = arith.cmpf ole, %parallel_loop3A_690, %parallel_loop3A_728 : vector<16xf32>
        %parallel_loop3A_736 = arith.select %parallel_loop3A_735, %parallel_loop3A_722, %parallel_loop3A_657 : vector<16xi1>, vector<16xf32>
        tpu.vector_store_idx %arg7[%parallel_loop3A_640, %parallel_loop3A_650], %parallel_loop3A_730 : memref<96x128xf32, #tpu.memory_space<vmem>>[vector<16xi32>, vector<16xi32>], vector<16xf32>,
        tpu.vector_store_idx %arg7[%parallel_loop3A_640, %parallel_loop3A_653], %parallel_loop3A_732 : memref<96x128xf32, #tpu.memory_space<vmem>>[vector<16xi32>, vector<16xi32>], vector<16xf32>,
        tpu.vector_store_idx %arg10[%parallel_loop3A_640, %parallel_loop3A_650], %parallel_loop3A_734 : memref<96x128xf32, #tpu.memory_space<vmem>>[vector<16xi32>, vector<16xi32>], vector<16xf32>,
        tpu.vector_store_idx %arg10[%parallel_loop3A_640, %parallel_loop3A_653], %parallel_loop3A_736 : memref<96x128xf32, #tpu.memory_space<vmem>>[vector<16xi32>, vector<16xi32>], vector<16xf32>,
        tpu.vector_store_idx %arg13[%parallel_loop3A_647, %parallel_loop3A_640], %parallel_loop3A_722 : memref<64x96xf32, #tpu.memory_space<vmem>>[vector<16xi32>, vector<16xi32>], vector<16xf32>,
      } {sc.loop_unroll_factor = 1 : i64, sc.parallel_access}
      %jit3A_395 = arith.constant 3 : i32
      %div3A_396 = arith.divsi %add3A_361, %jit3A_395 : i32
      %sign3A_397 = arith.constant 0 : i32
      %sign3A_398 = arith.cmpi sgt, %add3A_361, %sign3A_397 : i32
      %sign3A_399 = arith.extui %sign3A_398 : i1 to i32
      %sign3A_400 = arith.constant 0 : i32
      %sign3A_401 = arith.cmpi slt, %add3A_361, %sign3A_400 : i32
      %sign3A_402 = arith.extui %sign3A_401 : i1 to i32
      %sign3A_403 = arith.subi %sign3A_399, %sign3A_402 : i32
      %sign3A_404 = arith.constant 0 : i32
      %sign3A_405 = arith.cmpi sgt, %jit3A_395, %sign3A_404 : i32
      %sign3A_406 = arith.extui %sign3A_405 : i1 to i32
      %sign3A_407 = arith.constant 0 : i32
      %sign3A_408 = arith.cmpi slt, %jit3A_395, %sign3A_407 : i32
      %sign3A_409 = arith.extui %sign3A_408 : i1 to i32
      %sign3A_410 = arith.subi %sign3A_406, %sign3A_409 : i32
      %ne3A_411 = arith.cmpi ne, %sign3A_403, %sign3A_410 : i32
      %rem3A_412 = arith.remsi %add3A_361, %jit3A_395 : i32
      %ne3A_413 = arith.constant 0 : i32
      %ne3A_414 = arith.cmpi ne, %rem3A_412, %ne3A_413 : i32
      %and3A_415 = arith.andi %ne3A_411, %ne3A_414 : i1
      %sub3A_416 = arith.constant 1 : i32
      %sub3A_417 = arith.subi %div3A_396, %sub3A_416 : i32
      %select_n3A_418 = arith.select %and3A_415, %sub3A_417, %div3A_396 : i32
      %add3A_419 = arith.addi %mul3A_2, %select_n3A_418 : i32
      %jit3A_420 = arith.constant 3 : i32
      %div3A_421 = arith.divsi %add3A_361, %jit3A_420 : i32
      %sign3A_422 = arith.constant 0 : i32
      %sign3A_423 = arith.cmpi sgt, %add3A_361, %sign3A_422 : i32
      %sign3A_424 = arith.extui %sign3A_423 : i1 to i32
      %sign3A_425 = arith.constant 0 : i32
      %sign3A_426 = arith.cmpi slt, %add3A_361, %sign3A_425 : i32
      %sign3A_427 = arith.extui %sign3A_426 : i1 to i32
      %sign3A_428 = arith.subi %sign3A_424, %sign3A_427 : i32
      %sign3A_429 = arith.constant 0 : i32
      %sign3A_430 = arith.cmpi sgt, %jit3A_420, %sign3A_429 : i32
      %sign3A_431 = arith.extui %sign3A_430 : i1 to i32
      %sign3A_432 = arith.constant 0 : i32
      %sign3A_433 = arith.cmpi slt, %jit3A_420, %sign3A_432 : i32
      %sign3A_434 = arith.extui %sign3A_433 : i1 to i32
      %sign3A_435 = arith.subi %sign3A_431, %sign3A_434 : i32
      %ne3A_436 = arith.cmpi ne, %sign3A_428, %sign3A_435 : i32
      %rem3A_437 = arith.remsi %add3A_361, %jit3A_420 : i32
      %ne3A_438 = arith.constant 0 : i32
      %ne3A_439 = arith.cmpi ne, %rem3A_437, %ne3A_438 : i32
      %and3A_440 = arith.andi %ne3A_436, %ne3A_439 : i1
      %sub3A_441 = arith.constant 1 : i32
      %sub3A_442 = arith.subi %div3A_421, %sub3A_441 : i32
      %select_n3A_443 = arith.select %and3A_440, %sub3A_442, %div3A_421 : i32
      %mul3A_444 = arith.constant 3 : i32
      %mul3A_445 = arith.muli %select_n3A_443, %mul3A_444 : i32
      %sub3A_446 = arith.subi %add3A_361, %mul3A_445 : i32
      %mul3A_447 = arith.constant 192 : i32
      %mul3A_448 = arith.muli %select_n3A, %mul3A_447 : i32
      %sub3A_449 = arith.subi %add3A_419, %mul3A_448 : i32
      %mul3A_450 = arith.constant 2 : i32
      %mul3A_451 = arith.muli %mul3A_450, %sub3A_449 : i32
      %mul3A_452 = arith.constant 128 : i32
      %mul3A_453 = arith.muli %sub3A_446, %mul3A_452 : i32
      %dma_start3A_454 = arith.constant 0 : i32
      %dma_start3A_455 = tpu.memref_slice %arg4[%select_n3A, %mul3A_451, %dma_start3A_454, %mul3A_453] : memref<4x384x96x384xf32, #tpu.memory_space<hbm>> -> memref<1x1x96x128xf32, #tpu.memory_space<hbm>>
      %dma_start3A_456 = tpu.memref_squeeze %dma_start3A_455 : memref<1x1x96x128xf32, #tpu.memory_space<hbm>> -> memref<96x128xf32, #tpu.memory_space<hbm>>
      %dma_start3A_457 = arith.constant 0 : i32
      %dma_start3A_458 = tpu.memref_slice %arg4[%select_n3A, %mul3A_451, %dma_start3A_457, %mul3A_453] : memref<4x384x96x384xf32, #tpu.memory_space<hbm>> -> memref<1x1x96x128xf32, #tpu.memory_space<hbm>>
      %dma_start3A_459 = tpu.memref_squeeze %dma_start3A_458 : memref<1x1x96x128xf32, #tpu.memory_space<hbm>> -> memref<96x128xf32, #tpu.memory_space<hbm>>
      tpu.enqueue_dma source(%arg7 : memref<96x128xf32, #tpu.memory_space<vmem>>) target(%dma_start3A_459 : memref<96x128xf32, #tpu.memory_space<hbm>>) target_semaphore(%arg19 : memref<!tpu.dma_semaphore, #tpu.memory_space<semaphore_mem>>)
      %mul3A_460 = arith.constant 2 : i32
      %mul3A_461 = arith.muli %mul3A_460, %sub3A_449 : i32
      %add3A_462 = arith.constant 1 : i32
      %add3A_463 = arith.addi %mul3A_461, %add3A_462 : i32
      %mul3A_464 = arith.constant 128 : i32
      %mul3A_465 = arith.muli %sub3A_446, %mul3A_464 : i32
      %dma_start3A_466 = arith.constant 0 : i32
      %dma_start3A_467 = tpu.memref_slice %arg4[%select_n3A, %add3A_463, %dma_start3A_466, %mul3A_465] : memref<4x384x96x384xf32, #tpu.memory_space<hbm>> -> memref<1x1x96x128xf32, #tpu.memory_space<hbm>>
      %dma_start3A_468 = tpu.memref_squeeze %dma_start3A_467 : memref<1x1x96x128xf32, #tpu.memory_space<hbm>> -> memref<96x128xf32, #tpu.memory_space<hbm>>
      %dma_start3A_469 = arith.constant 0 : i32
      %dma_start3A_470 = tpu.memref_slice %arg4[%select_n3A, %add3A_463, %dma_start3A_469, %mul3A_465] : memref<4x384x96x384xf32, #tpu.memory_space<hbm>> -> memref<1x1x96x128xf32, #tpu.memory_space<hbm>>
      %dma_start3A_471 = tpu.memref_squeeze %dma_start3A_470 : memref<1x1x96x128xf32, #tpu.memory_space<hbm>> -> memref<96x128xf32, #tpu.memory_space<hbm>>
      tpu.enqueue_dma source(%arg10 : memref<96x128xf32, #tpu.memory_space<vmem>>) target(%dma_start3A_471 : memref<96x128xf32, #tpu.memory_space<hbm>>) target_semaphore(%arg19 : memref<!tpu.dma_semaphore, #tpu.memory_space<semaphore_mem>>)
      %mul3A_472 = arith.constant 64 : i32
      %mul3A_473 = arith.muli %sub3A_446, %mul3A_472 : i32
      %dma_start3A_474 = arith.constant 0 : i32
      %dma_start3A_475 = tpu.memref_slice %arg5[%select_n3A, %sub3A_449, %mul3A_473, %dma_start3A_474] : memref<4x192x192x96xf32, #tpu.memory_space<hbm>> -> memref<1x1x64x96xf32, #tpu.memory_space<hbm>>
      %dma_start3A_476 = tpu.memref_squeeze %dma_start3A_475 : memref<1x1x64x96xf32, #tpu.memory_space<hbm>> -> memref<64x96xf32, #tpu.memory_space<hbm>>
      %dma_start3A_477 = arith.constant 0 : i32
      %dma_start3A_478 = tpu.memref_slice %arg5[%select_n3A, %sub3A_449, %mul3A_473, %dma_start3A_477] : memref<4x192x192x96xf32, #tpu.memory_space<hbm>> -> memref<1x1x64x96xf32, #tpu.memory_space<hbm>>
      %dma_start3A_479 = tpu.memref_squeeze %dma_start3A_478 : memref<1x1x64x96xf32, #tpu.memory_space<hbm>> -> memref<64x96xf32, #tpu.memory_space<hbm>>
      tpu.enqueue_dma source(%arg13 : memref<64x96xf32, #tpu.memory_space<vmem>>) target(%dma_start3A_479 : memref<64x96xf32, #tpu.memory_space<hbm>>) target_semaphore(%arg19 : memref<!tpu.dma_semaphore, #tpu.memory_space<semaphore_mem>>)
      %ge3A_480 = arith.constant 1 : i32
      %ge3A_481 = arith.cmpi sge, %add3A_361, %ge3A_480 : i32
      %convert_element_type3A_482 = arith.extui %ge3A_481 : i1 to i32
      %cond3A_483 = arith.constant 0 : i32
      %cond3A_484 = arith.cmpi ne, %convert_element_type3A_482, %cond3A_483 : i32
      scf.if %cond3A_484 {
        %dma_wait3A_626 = arith.constant 0 : i32
        %dma_wait3A_627 = arith.constant 0 : i32
        %dma_wait3A_628 = arith.constant 0 : i32
        %dma_wait3A_629 = arith.constant 0 : i32
        %dma_wait3A_630 = tpu.memref_slice %arg4[%dma_wait3A_626, %dma_wait3A_627, %dma_wait3A_628, %dma_wait3A_629] : memref<4x384x96x384xf32, #tpu.memory_space<hbm>> -> memref<1x1x96x128xf32, #tpu.memory_space<hbm>>
        %dma_wait3A_631 = tpu.memref_squeeze %dma_wait3A_630 : memref<1x1x96x128xf32, #tpu.memory_space<hbm>> -> memref<96x128xf32, #tpu.memory_space<hbm>>
        %dma_wait3A_632 = arith.constant 0 : i32
        %dma_wait3A_633 = arith.constant 0 : i32
        %dma_wait3A_634 = tpu.memref_slice %arg4[%dma_wait3A_626, %dma_wait3A_627, %dma_wait3A_632, %dma_wait3A_633] : memref<4x384x96x384xf32, #tpu.memory_space<hbm>> -> memref<1x1x96x128xf32, #tpu.memory_space<hbm>>
        %dma_wait3A_635 = tpu.memref_squeeze %dma_wait3A_634 : memref<1x1x96x128xf32, #tpu.memory_space<hbm>> -> memref<96x128xf32, #tpu.memory_space<hbm>>
        tpu.wait_dma2 semaphore(%arg18 : memref<!tpu.dma_semaphore, #tpu.memory_space<semaphore_mem>>) src(%arg6 : memref<96x128xf32, #tpu.memory_space<vmem>>) dst(%dma_wait3A_635 : memref<96x128xf32, #tpu.memory_space<hbm>>)
        %dma_wait3A_636 = arith.constant 0 : i32
        %dma_wait3A_637 = arith.constant 0 : i32
        %dma_wait3A_638 = arith.constant 0 : i32
        %dma_wait3A_639 = arith.constant 0 : i32
        %dma_wait3A_640 = tpu.memref_slice %arg4[%dma_wait3A_636, %dma_wait3A_637, %dma_wait3A_638, %dma_wait3A_639] : memref<4x384x96x384xf32, #tpu.memory_space<hbm>> -> memref<1x1x96x128xf32, #tpu.memory_space<hbm>>
        %dma_wait3A_641 = tpu.memref_squeeze %dma_wait3A_640 : memref<1x1x96x128xf32, #tpu.memory_space<hbm>> -> memref<96x128xf32, #tpu.memory_space<hbm>>
        %dma_wait3A_642 = arith.constant 0 : i32
        %dma_wait3A_643 = arith.constant 0 : i32
        %dma_wait3A_644 = tpu.memref_slice %arg4[%dma_wait3A_636, %dma_wait3A_637, %dma_wait3A_642, %dma_wait3A_643] : memref<4x384x96x384xf32, #tpu.memory_space<hbm>> -> memref<1x1x96x128xf32, #tpu.memory_space<hbm>>
        %dma_wait3A_645 = tpu.memref_squeeze %dma_wait3A_644 : memref<1x1x96x128xf32, #tpu.memory_space<hbm>> -> memref<96x128xf32, #tpu.memory_space<hbm>>
        tpu.wait_dma2 semaphore(%arg18 : memref<!tpu.dma_semaphore, #tpu.memory_space<semaphore_mem>>) src(%arg9 : memref<96x128xf32, #tpu.memory_space<vmem>>) dst(%dma_wait3A_645 : memref<96x128xf32, #tpu.memory_space<hbm>>)
        %dma_wait3A_646 = arith.constant 0 : i32
        %dma_wait3A_647 = arith.constant 0 : i32
        %dma_wait3A_648 = arith.constant 0 : i32
        %dma_wait3A_649 = arith.constant 0 : i32
        %dma_wait3A_650 = tpu.memref_slice %arg5[%dma_wait3A_646, %dma_wait3A_647, %dma_wait3A_648, %dma_wait3A_649] : memref<4x192x192x96xf32, #tpu.memory_space<hbm>> -> memref<1x1x64x96xf32, #tpu.memory_space<hbm>>
        %dma_wait3A_651 = tpu.memref_squeeze %dma_wait3A_650 : memref<1x1x64x96xf32, #tpu.memory_space<hbm>> -> memref<64x96xf32, #tpu.memory_space<hbm>>
        %dma_wait3A_652 = arith.constant 0 : i32
        %dma_wait3A_653 = arith.constant 0 : i32
        %dma_wait3A_654 = tpu.memref_slice %arg5[%dma_wait3A_646, %dma_wait3A_647, %dma_wait3A_652, %dma_wait3A_653] : memref<4x192x192x96xf32, #tpu.memory_space<hbm>> -> memref<1x1x64x96xf32, #tpu.memory_space<hbm>>
        %dma_wait3A_655 = tpu.memref_squeeze %dma_wait3A_654 : memref<1x1x64x96xf32, #tpu.memory_space<hbm>> -> memref<64x96xf32, #tpu.memory_space<hbm>>
        tpu.wait_dma2 semaphore(%arg18 : memref<!tpu.dma_semaphore, #tpu.memory_space<semaphore_mem>>) src(%arg12 : memref<64x96xf32, #tpu.memory_space<vmem>>) dst(%dma_wait3A_655 : memref<64x96xf32, #tpu.memory_space<hbm>>)
      } else {
      }
      %add3A_485 = arith.constant 2 : i32
      %add3A_486 = arith.addi %add3A_361, %add3A_485 : i32
      %lt3A_487 = arith.constant 72 : i32
      %lt3A_488 = arith.cmpi slt, %add3A_486, %lt3A_487 : i32
      %convert_element_type3A_489 = arith.extui %lt3A_488 : i1 to i32
      %cond3A_490 = arith.constant 0 : i32
      %cond3A_491 = arith.cmpi ne, %convert_element_type3A_489, %cond3A_490 : i32
      scf.if %cond3A_491 {
        %add3A_626 = arith.constant 2 : i32
        %add3A_627 = arith.addi %add3A_361, %add3A_626 : i32
        %jit3A_628 = arith.constant 3 : i32
        %div3A_629 = arith.divsi %add3A_627, %jit3A_628 : i32
        %sign3A_630 = arith.constant 0 : i32
        %sign3A_631 = arith.cmpi sgt, %add3A_627, %sign3A_630 : i32
        %sign3A_632 = arith.extui %sign3A_631 : i1 to i32
        %sign3A_633 = arith.constant 0 : i32
        %sign3A_634 = arith.cmpi slt, %add3A_627, %sign3A_633 : i32
        %sign3A_635 = arith.extui %sign3A_634 : i1 to i32
        %sign3A_636 = arith.subi %sign3A_632, %sign3A_635 : i32
        %sign3A_637 = arith.constant 0 : i32
        %sign3A_638 = arith.cmpi sgt, %jit3A_628, %sign3A_637 : i32
        %sign3A_639 = arith.extui %sign3A_638 : i1 to i32
        %sign3A_640 = arith.constant 0 : i32
        %sign3A_641 = arith.cmpi slt, %jit3A_628, %sign3A_640 : i32
        %sign3A_642 = arith.extui %sign3A_641 : i1 to i32
        %sign3A_643 = arith.subi %sign3A_639, %sign3A_642 : i32
        %ne3A_644 = arith.cmpi ne, %sign3A_636, %sign3A_643 : i32
        %rem3A_645 = arith.remsi %add3A_627, %jit3A_628 : i32
        %ne3A_646 = arith.constant 0 : i32
        %ne3A_647 = arith.cmpi ne, %rem3A_645, %ne3A_646 : i32
        %and3A_648 = arith.andi %ne3A_644, %ne3A_647 : i1
        %sub3A_649 = arith.constant 1 : i32
        %sub3A_650 = arith.subi %div3A_629, %sub3A_649 : i32
        %select_n3A_651 = arith.select %and3A_648, %sub3A_650, %div3A_629 : i32
        %add3A_652 = arith.addi %mul3A_2, %select_n3A_651 : i32
        %jit3A_653 = arith.constant 3 : i32
        %div3A_654 = arith.divsi %add3A_627, %jit3A_653 : i32
        %sign3A_655 = arith.constant 0 : i32
        %sign3A_656 = arith.cmpi sgt, %add3A_627, %sign3A_655 : i32
        %sign3A_657 = arith.extui %sign3A_656 : i1 to i32
        %sign3A_658 = arith.constant 0 : i32
        %sign3A_659 = arith.cmpi slt, %add3A_627, %sign3A_658 : i32
        %sign3A_660 = arith.extui %sign3A_659 : i1 to i32
        %sign3A_661 = arith.subi %sign3A_657, %sign3A_660 : i32
        %sign3A_662 = arith.constant 0 : i32
        %sign3A_663 = arith.cmpi sgt, %jit3A_653, %sign3A_662 : i32
        %sign3A_664 = arith.extui %sign3A_663 : i1 to i32
        %sign3A_665 = arith.constant 0 : i32
        %sign3A_666 = arith.cmpi slt, %jit3A_653, %sign3A_665 : i32
        %sign3A_667 = arith.extui %sign3A_666 : i1 to i32
        %sign3A_668 = arith.subi %sign3A_664, %sign3A_667 : i32
        %ne3A_669 = arith.cmpi ne, %sign3A_661, %sign3A_668 : i32
        %rem3A_670 = arith.remsi %add3A_627, %jit3A_653 : i32
        %ne3A_671 = arith.constant 0 : i32
        %ne3A_672 = arith.cmpi ne, %rem3A_670, %ne3A_671 : i32
        %and3A_673 = arith.andi %ne3A_669, %ne3A_672 : i1
        %sub3A_674 = arith.constant 1 : i32
        %sub3A_675 = arith.subi %div3A_654, %sub3A_674 : i32
        %select_n3A_676 = arith.select %and3A_673, %sub3A_675, %div3A_654 : i32
        %mul3A_677 = arith.constant 3 : i32
        %mul3A_678 = arith.muli %select_n3A_676, %mul3A_677 : i32
        %sub3A_679 = arith.subi %add3A_627, %mul3A_678 : i32
        %mul3A_680 = arith.constant 192 : i32
        %mul3A_681 = arith.muli %select_n3A, %mul3A_680 : i32
        %sub3A_682 = arith.subi %add3A_652, %mul3A_681 : i32
        %mul3A_683 = arith.constant 2 : i32
        %mul3A_684 = arith.muli %mul3A_683, %sub3A_682 : i32
        %mul3A_685 = arith.constant 128 : i32
        %mul3A_686 = arith.muli %sub3A_679, %mul3A_685 : i32
        %dma_start3A_687 = arith.constant 0 : i32
        %dma_start3A_688 = tpu.memref_slice %arg2[%select_n3A, %mul3A_684, %dma_start3A_687, %mul3A_686] : memref<4x384x96x384xf32, #tpu.memory_space<hbm>> -> memref<1x1x96x128xf32, #tpu.memory_space<hbm>>
        %dma_start3A_689 = tpu.memref_squeeze %dma_start3A_688 : memref<1x1x96x128xf32, #tpu.memory_space<hbm>> -> memref<96x128xf32, #tpu.memory_space<hbm>>
        %dma_start3A_690 = arith.constant 0 : i32
        %dma_start3A_691 = tpu.memref_slice %arg2[%select_n3A, %mul3A_684, %dma_start3A_690, %mul3A_686] : memref<4x384x96x384xf32, #tpu.memory_space<hbm>> -> memref<1x1x96x128xf32, #tpu.memory_space<hbm>>
        %dma_start3A_692 = tpu.memref_squeeze %dma_start3A_691 : memref<1x1x96x128xf32, #tpu.memory_space<hbm>> -> memref<96x128xf32, #tpu.memory_space<hbm>>
        tpu.enqueue_dma source(%dma_start3A_692 : memref<96x128xf32, #tpu.memory_space<hbm>>) target(%arg6 : memref<96x128xf32, #tpu.memory_space<vmem>>) target_semaphore(%arg15 : memref<!tpu.dma_semaphore, #tpu.memory_space<semaphore_mem>>)
        %mul3A_693 = arith.constant 2 : i32
        %mul3A_694 = arith.muli %mul3A_693, %sub3A_682 : i32
        %add3A_695 = arith.constant 1 : i32
        %add3A_696 = arith.addi %mul3A_694, %add3A_695 : i32
        %mul3A_697 = arith.constant 128 : i32
        %mul3A_698 = arith.muli %sub3A_679, %mul3A_697 : i32
        %dma_start3A_699 = arith.constant 0 : i32
        %dma_start3A_700 = tpu.memref_slice %arg2[%select_n3A, %add3A_696, %dma_start3A_699, %mul3A_698] : memref<4x384x96x384xf32, #tpu.memory_space<hbm>> -> memref<1x1x96x128xf32, #tpu.memory_space<hbm>>
        %dma_start3A_701 = tpu.memref_squeeze %dma_start3A_700 : memref<1x1x96x128xf32, #tpu.memory_space<hbm>> -> memref<96x128xf32, #tpu.memory_space<hbm>>
        %dma_start3A_702 = arith.constant 0 : i32
        %dma_start3A_703 = tpu.memref_slice %arg2[%select_n3A, %add3A_696, %dma_start3A_702, %mul3A_698] : memref<4x384x96x384xf32, #tpu.memory_space<hbm>> -> memref<1x1x96x128xf32, #tpu.memory_space<hbm>>
        %dma_start3A_704 = tpu.memref_squeeze %dma_start3A_703 : memref<1x1x96x128xf32, #tpu.memory_space<hbm>> -> memref<96x128xf32, #tpu.memory_space<hbm>>
        tpu.enqueue_dma source(%dma_start3A_704 : memref<96x128xf32, #tpu.memory_space<hbm>>) target(%arg9 : memref<96x128xf32, #tpu.memory_space<vmem>>) target_semaphore(%arg15 : memref<!tpu.dma_semaphore, #tpu.memory_space<semaphore_mem>>)
        %mul3A_705 = arith.constant 64 : i32
        %mul3A_706 = arith.muli %sub3A_679, %mul3A_705 : i32
        %dma_start3A_707 = arith.constant 0 : i32
        %dma_start3A_708 = tpu.memref_slice %arg3[%select_n3A, %sub3A_682, %mul3A_706, %dma_start3A_707] : memref<4x192x192x96xf32, #tpu.memory_space<hbm>> -> memref<1x1x64x96xf32, #tpu.memory_space<hbm>>
        %dma_start3A_709 = tpu.memref_squeeze %dma_start3A_708 : memref<1x1x64x96xf32, #tpu.memory_space<hbm>> -> memref<64x96xf32, #tpu.memory_space<hbm>>
        %dma_start3A_710 = arith.constant 0 : i32
        %dma_start3A_711 = tpu.memref_slice %arg3[%select_n3A, %sub3A_682, %mul3A_706, %dma_start3A_710] : memref<4x192x192x96xf32, #tpu.memory_space<hbm>> -> memref<1x1x64x96xf32, #tpu.memory_space<hbm>>
        %dma_start3A_712 = tpu.memref_squeeze %dma_start3A_711 : memref<1x1x64x96xf32, #tpu.memory_space<hbm>> -> memref<64x96xf32, #tpu.memory_space<hbm>>
        tpu.enqueue_dma source(%dma_start3A_712 : memref<64x96xf32, #tpu.memory_space<hbm>>) target(%arg12 : memref<64x96xf32, #tpu.memory_space<vmem>>) target_semaphore(%arg15 : memref<!tpu.dma_semaphore, #tpu.memory_space<semaphore_mem>>)
      } else {
      }
      %mul3A_492 = arith.constant 3 : i32
      %mul3A_493 = arith.muli %scan3A_228, %mul3A_492 : i32
      %add3A_494 = arith.constant 2 : i32
      %add3A_495 = arith.addi %mul3A_493, %add3A_494 : i32
      %dma_wait3A_496 = arith.constant 0 : i32
      %dma_wait3A_497 = arith.constant 0 : i32
      %dma_wait3A_498 = arith.constant 0 : i32
      %dma_wait3A_499 = arith.constant 0 : i32
      %dma_wait3A_500 = tpu.memref_slice %arg2[%dma_wait3A_496, %dma_wait3A_497, %dma_wait3A_498, %dma_wait3A_499] : memref<4x384x96x384xf32, #tpu.memory_space<hbm>> -> memref<1x1x96x128xf32, #tpu.memory_space<hbm>>
      %dma_wait3A_501 = tpu.memref_squeeze %dma_wait3A_500 : memref<1x1x96x128xf32, #tpu.memory_space<hbm>> -> memref<96x128xf32, #tpu.memory_space<hbm>>
      %dma_wait3A_502 = arith.constant 0 : i32
      %dma_wait3A_503 = arith.constant 0 : i32
      %dma_wait3A_504 = tpu.memref_slice %arg2[%dma_wait3A_496, %dma_wait3A_497, %dma_wait3A_502, %dma_wait3A_503] : memref<4x384x96x384xf32, #tpu.memory_space<hbm>> -> memref<1x1x96x128xf32, #tpu.memory_space<hbm>>
      %dma_wait3A_505 = tpu.memref_squeeze %dma_wait3A_504 : memref<1x1x96x128xf32, #tpu.memory_space<hbm>> -> memref<96x128xf32, #tpu.memory_space<hbm>>
      tpu.wait_dma2 semaphore(%arg17 : memref<!tpu.dma_semaphore, #tpu.memory_space<semaphore_mem>>) src(%dma_wait3A_505 : memref<96x128xf32, #tpu.memory_space<hbm>>) dst(%arg8 : memref<96x128xf32, #tpu.memory_space<vmem>>)
      %dma_wait3A_506 = arith.constant 0 : i32
      %dma_wait3A_507 = arith.constant 0 : i32
      %dma_wait3A_508 = arith.constant 0 : i32
      %dma_wait3A_509 = arith.constant 0 : i32
      %dma_wait3A_510 = tpu.memref_slice %arg2[%dma_wait3A_506, %dma_wait3A_507, %dma_wait3A_508, %dma_wait3A_509] : memref<4x384x96x384xf32, #tpu.memory_space<hbm>> -> memref<1x1x96x128xf32, #tpu.memory_space<hbm>>
      %dma_wait3A_511 = tpu.memref_squeeze %dma_wait3A_510 : memref<1x1x96x128xf32, #tpu.memory_space<hbm>> -> memref<96x128xf32, #tpu.memory_space<hbm>>
      %dma_wait3A_512 = arith.constant 0 : i32
      %dma_wait3A_513 = arith.constant 0 : i32
      %dma_wait3A_514 = tpu.memref_slice %arg2[%dma_wait3A_506, %dma_wait3A_507, %dma_wait3A_512, %dma_wait3A_513] : memref<4x384x96x384xf32, #tpu.memory_space<hbm>> -> memref<1x1x96x128xf32, #tpu.memory_space<hbm>>
      %dma_wait3A_515 = tpu.memref_squeeze %dma_wait3A_514 : memref<1x1x96x128xf32, #tpu.memory_space<hbm>> -> memref<96x128xf32, #tpu.memory_space<hbm>>
      tpu.wait_dma2 semaphore(%arg17 : memref<!tpu.dma_semaphore, #tpu.memory_space<semaphore_mem>>) src(%dma_wait3A_515 : memref<96x128xf32, #tpu.memory_space<hbm>>) dst(%arg11 : memref<96x128xf32, #tpu.memory_space<vmem>>)
      %dma_wait3A_516 = arith.constant 0 : i32
      %dma_wait3A_517 = arith.constant 0 : i32
      %dma_wait3A_518 = arith.constant 0 : i32
      %dma_wait3A_519 = arith.constant 0 : i32
      %dma_wait3A_520 = tpu.memref_slice %arg3[%dma_wait3A_516, %dma_wait3A_517, %dma_wait3A_518, %dma_wait3A_519] : memref<4x192x192x96xf32, #tpu.memory_space<hbm>> -> memref<1x1x64x96xf32, #tpu.memory_space<hbm>>
      %dma_wait3A_521 = tpu.memref_squeeze %dma_wait3A_520 : memref<1x1x64x96xf32, #tpu.memory_space<hbm>> -> memref<64x96xf32, #tpu.memory_space<hbm>>
      %dma_wait3A_522 = arith.constant 0 : i32
      %dma_wait3A_523 = arith.constant 0 : i32
      %dma_wait3A_524 = tpu.memref_slice %arg3[%dma_wait3A_516, %dma_wait3A_517, %dma_wait3A_522, %dma_wait3A_523] : memref<4x192x192x96xf32, #tpu.memory_space<hbm>> -> memref<1x1x64x96xf32, #tpu.memory_space<hbm>>
      %dma_wait3A_525 = tpu.memref_squeeze %dma_wait3A_524 : memref<1x1x64x96xf32, #tpu.memory_space<hbm>> -> memref<64x96xf32, #tpu.memory_space<hbm>>
      tpu.wait_dma2 semaphore(%arg17 : memref<!tpu.dma_semaphore, #tpu.memory_space<semaphore_mem>>) src(%dma_wait3A_525 : memref<64x96xf32, #tpu.memory_space<hbm>>) dst(%arg14 : memref<64x96xf32, #tpu.memory_space<vmem>>)
      %parallel_loop3A_526 = arith.constant 0 : i32
      %parallel_loop3A_527 = arith.constant 384 : i32
      %parallel_loop3A_528 = arith.constant 1 : i32
      scf.for %parallel_loop3A_626 = %parallel_loop3A_526 to %parallel_loop3A_527 step %parallel_loop3A_528  : i32 {
        %parallel_loop3A_627 = arith.constant 6 : i32
        %parallel_loop3A_628 = arith.shrui %parallel_loop3A_626, %parallel_loop3A_627 : i32
        %parallel_loop3A_629 = arith.constant 4 : i32
        %parallel_loop3A_630 = arith.shli %parallel_loop3A_628, %parallel_loop3A_629 : i32
        %parallel_loop3A_631 = arith.constant 4 : i32
        %parallel_loop3A_632 = arith.shrui %parallel_loop3A_626, %parallel_loop3A_631 : i32
        %parallel_loop3A_633 = arith.constant 3 : i32
        %parallel_loop3A_634 = arith.andi %parallel_loop3A_632, %parallel_loop3A_633 : i32
        %parallel_loop3A_635 = arith.constant 4 : i32
        %parallel_loop3A_636 = arith.shli %parallel_loop3A_634, %parallel_loop3A_635 : i32
        %parallel_loop3A_637 = arith.constant 15 : i32
        %parallel_loop3A_638 = arith.andi %parallel_loop3A_626, %parallel_loop3A_637 : i32
        %parallel_loop3A_639 = vector.broadcast %parallel_loop3A_630 : i32 to vector<16xi32>
        %parallel_loop3A_640 = arith.addi %parallel_loop3A_639, %iota3A : vector<16xi32>
        %parallel_loop3A_641 = vector.broadcast %parallel_loop3A_638 : i32 to vector<16xi32>
        %parallel_loop3A_642 = arith.addi %iota3A, %parallel_loop3A_641 : vector<16xi32>
        %parallel_loop3A_643 = arith.constant 15 : i32
        %parallel_loop3A_644 = vector.broadcast %parallel_loop3A_643 : i32 to vector<16xi32>
        %parallel_loop3A_645 = arith.andi %parallel_loop3A_642, %parallel_loop3A_644 : vector<16xi32>
        %parallel_loop3A_646 = vector.broadcast %parallel_loop3A_636 : i32 to vector<16xi32>
        %parallel_loop3A_647 = arith.addi %parallel_loop3A_646, %parallel_loop3A_645 : vector<16xi32>
        %parallel_loop3A_648 = arith.constant 2 : i32
        %parallel_loop3A_649 = vector.broadcast %parallel_loop3A_648 : i32 to vector<16xi32>
        %parallel_loop3A_650 = arith.muli %parallel_loop3A_647, %parallel_loop3A_649 : vector<16xi32>
        %parallel_loop3A_651 = arith.constant 1 : i32
        %parallel_loop3A_652 = vector.broadcast %parallel_loop3A_651 : i32 to vector<16xi32>
        %parallel_loop3A_653 = arith.addi %parallel_loop3A_650, %parallel_loop3A_652 : vector<16xi32>
        %parallel_loop3A_654 = tpu.vector_load_idx %arg8[%parallel_loop3A_640, %parallel_loop3A_650] : memref<96x128xf32, #tpu.memory_space<vmem>>[vector<16xi32>, vector<16xi32>], vector<16xf32>,
        %parallel_loop3A_655 = tpu.vector_load_idx %arg8[%parallel_loop3A_640, %parallel_loop3A_653] : memref<96x128xf32, #tpu.memory_space<vmem>>[vector<16xi32>, vector<16xi32>], vector<16xf32>,
        %parallel_loop3A_656 = tpu.vector_load_idx %arg11[%parallel_loop3A_640, %parallel_loop3A_650] : memref<96x128xf32, #tpu.memory_space<vmem>>[vector<16xi32>, vector<16xi32>], vector<16xf32>,
        %parallel_loop3A_657 = tpu.vector_load_idx %arg11[%parallel_loop3A_640, %parallel_loop3A_653] : memref<96x128xf32, #tpu.memory_space<vmem>>[vector<16xi32>, vector<16xi32>], vector<16xf32>,
        %parallel_loop3A_658 = tpu.vector_load_idx %arg14[%parallel_loop3A_647, %parallel_loop3A_640] : memref<64x96xf32, #tpu.memory_space<vmem>>[vector<16xi32>, vector<16xi32>], vector<16xf32>,
        %parallel_loop3A_659 = arith.constant 1.000000e+00 : f32
        %parallel_loop3A_660 = vector.broadcast %parallel_loop3A_659 : f32 to vector<16xf32>
        %parallel_loop3A_661 = arith.constant 0.000000e+00 : f32
        %parallel_loop3A_662 = vector.broadcast %parallel_loop3A_661 : f32 to vector<16xf32>
        %parallel_loop3A_663 = arith.constant 2.000000e+00 : f32
        %parallel_loop3A_664 = vector.broadcast %parallel_loop3A_663 : f32 to vector<16xf32>
        %parallel_loop3A_665 = arith.constant 3.000000e+00 : f32
        %parallel_loop3A_666 = vector.broadcast %parallel_loop3A_665 : f32 to vector<16xf32>
        %parallel_loop3A_667 = arith.cmpf oge, %parallel_loop3A_654, %parallel_loop3A_655 : vector<16xf32>
        %parallel_loop3A_668 = arith.select %parallel_loop3A_667, %parallel_loop3A_660, %parallel_loop3A_662 : vector<16xi1>, vector<16xf32>
        %parallel_loop3A_669 = arith.cmpf oge, %parallel_loop3A_654, %parallel_loop3A_656 : vector<16xf32>
        %parallel_loop3A_670 = arith.select %parallel_loop3A_669, %parallel_loop3A_660, %parallel_loop3A_662 : vector<16xi1>, vector<16xf32>
        %parallel_loop3A_671 = arith.cmpf oge, %parallel_loop3A_654, %parallel_loop3A_657 : vector<16xf32>
        %parallel_loop3A_672 = arith.select %parallel_loop3A_671, %parallel_loop3A_660, %parallel_loop3A_662 : vector<16xi1>, vector<16xf32>
        %parallel_loop3A_673 = arith.cmpf oge, %parallel_loop3A_655, %parallel_loop3A_656 : vector<16xf32>
        %parallel_loop3A_674 = arith.select %parallel_loop3A_673, %parallel_loop3A_660, %parallel_loop3A_662 : vector<16xi1>, vector<16xf32>
        %parallel_loop3A_675 = arith.cmpf oge, %parallel_loop3A_655, %parallel_loop3A_657 : vector<16xf32>
        %parallel_loop3A_676 = arith.select %parallel_loop3A_675, %parallel_loop3A_660, %parallel_loop3A_662 : vector<16xi1>, vector<16xf32>
        %parallel_loop3A_677 = arith.cmpf oge, %parallel_loop3A_656, %parallel_loop3A_657 : vector<16xf32>
        %parallel_loop3A_678 = arith.select %parallel_loop3A_677, %parallel_loop3A_660, %parallel_loop3A_662 : vector<16xi1>, vector<16xf32>
        %parallel_loop3A_679 = arith.addf %parallel_loop3A_668, %parallel_loop3A_670 : vector<16xf32>
        %parallel_loop3A_680 = arith.addf %parallel_loop3A_679, %parallel_loop3A_672 : vector<16xf32>
        %parallel_loop3A_681 = arith.subf %parallel_loop3A_666, %parallel_loop3A_680 : vector<16xf32>
        %parallel_loop3A_682 = arith.subf %parallel_loop3A_660, %parallel_loop3A_674 : vector<16xf32>
        %parallel_loop3A_683 = arith.addf %parallel_loop3A_668, %parallel_loop3A_682 : vector<16xf32>
        %parallel_loop3A_684 = arith.subf %parallel_loop3A_660, %parallel_loop3A_676 : vector<16xf32>
        %parallel_loop3A_685 = arith.addf %parallel_loop3A_683, %parallel_loop3A_684 : vector<16xf32>
        %parallel_loop3A_686 = arith.addf %parallel_loop3A_670, %parallel_loop3A_674 : vector<16xf32>
        %parallel_loop3A_687 = arith.subf %parallel_loop3A_660, %parallel_loop3A_678 : vector<16xf32>
        %parallel_loop3A_688 = arith.addf %parallel_loop3A_686, %parallel_loop3A_687 : vector<16xf32>
        %parallel_loop3A_689 = arith.addf %parallel_loop3A_672, %parallel_loop3A_676 : vector<16xf32>
        %parallel_loop3A_690 = arith.addf %parallel_loop3A_689, %parallel_loop3A_678 : vector<16xf32>
        %parallel_loop3A_691 = arith.maximumf %parallel_loop3A_654, %parallel_loop3A_655 : vector<16xf32>
        %parallel_loop3A_692 = arith.minimumf %parallel_loop3A_654, %parallel_loop3A_655 : vector<16xf32>
        %parallel_loop3A_693 = arith.maximumf %parallel_loop3A_656, %parallel_loop3A_657 : vector<16xf32>
        %parallel_loop3A_694 = arith.minimumf %parallel_loop3A_656, %parallel_loop3A_657 : vector<16xf32>
        %parallel_loop3A_695 = arith.maximumf %parallel_loop3A_691, %parallel_loop3A_693 : vector<16xf32>
        %parallel_loop3A_696 = arith.minimumf %parallel_loop3A_692, %parallel_loop3A_694 : vector<16xf32>
        %parallel_loop3A_697 = arith.minimumf %parallel_loop3A_691, %parallel_loop3A_693 : vector<16xf32>
        %parallel_loop3A_698 = arith.maximumf %parallel_loop3A_692, %parallel_loop3A_694 : vector<16xf32>
        %parallel_loop3A_699 = arith.maximumf %parallel_loop3A_697, %parallel_loop3A_698 : vector<16xf32>
        %parallel_loop3A_700 = arith.minimumf %parallel_loop3A_697, %parallel_loop3A_698 : vector<16xf32>
        %parallel_loop3A_701 = arith.addf %parallel_loop3A_695, %parallel_loop3A_699 : vector<16xf32>
        %parallel_loop3A_702 = arith.addf %parallel_loop3A_701, %parallel_loop3A_700 : vector<16xf32>
        %parallel_loop3A_703 = arith.addf %parallel_loop3A_702, %parallel_loop3A_696 : vector<16xf32>
        %parallel_loop3A_704 = arith.addf %parallel_loop3A_695, %parallel_loop3A_658 : vector<16xf32>
        %parallel_loop3A_705 = arith.constant 5.000000e-01 : f32
        %parallel_loop3A_706 = vector.broadcast %parallel_loop3A_705 : f32 to vector<16xf32>
        %parallel_loop3A_707 = arith.mulf %parallel_loop3A_704, %parallel_loop3A_706 : vector<16xf32>
        %parallel_loop3A_708 = arith.addf %parallel_loop3A_701, %parallel_loop3A_658 : vector<16xf32>
        %parallel_loop3A_709 = arith.constant 0.333333343 : f32
        %parallel_loop3A_710 = vector.broadcast %parallel_loop3A_709 : f32 to vector<16xf32>
        %parallel_loop3A_711 = arith.mulf %parallel_loop3A_708, %parallel_loop3A_710 : vector<16xf32>
        %parallel_loop3A_712 = arith.addf %parallel_loop3A_702, %parallel_loop3A_658 : vector<16xf32>
        %parallel_loop3A_713 = arith.constant 2.500000e-01 : f32
        %parallel_loop3A_714 = vector.broadcast %parallel_loop3A_713 : f32 to vector<16xf32>
        %parallel_loop3A_715 = arith.mulf %parallel_loop3A_712, %parallel_loop3A_714 : vector<16xf32>
        %parallel_loop3A_716 = arith.addf %parallel_loop3A_703, %parallel_loop3A_658 : vector<16xf32>
        %parallel_loop3A_717 = arith.constant 2.000000e-01 : f32
        %parallel_loop3A_718 = vector.broadcast %parallel_loop3A_717 : f32 to vector<16xf32>
        %parallel_loop3A_719 = arith.mulf %parallel_loop3A_716, %parallel_loop3A_718 : vector<16xf32>
        %parallel_loop3A_720 = arith.maximumf %parallel_loop3A_707, %parallel_loop3A_711 : vector<16xf32>
        %parallel_loop3A_721 = arith.maximumf %parallel_loop3A_715, %parallel_loop3A_719 : vector<16xf32>
        %parallel_loop3A_722 = arith.maximumf %parallel_loop3A_720, %parallel_loop3A_721 : vector<16xf32>
        %parallel_loop3A_723 = arith.cmpf oge, %parallel_loop3A_707, %parallel_loop3A_722 : vector<16xf32>
        %parallel_loop3A_724 = arith.cmpf oge, %parallel_loop3A_711, %parallel_loop3A_722 : vector<16xf32>
        %parallel_loop3A_725 = arith.cmpf oge, %parallel_loop3A_715, %parallel_loop3A_722 : vector<16xf32>
        %parallel_loop3A_726 = arith.select %parallel_loop3A_725, %parallel_loop3A_664, %parallel_loop3A_666 : vector<16xi1>, vector<16xf32>
        %parallel_loop3A_727 = arith.select %parallel_loop3A_724, %parallel_loop3A_660, %parallel_loop3A_726 : vector<16xi1>, vector<16xf32>
        %parallel_loop3A_728 = arith.select %parallel_loop3A_723, %parallel_loop3A_662, %parallel_loop3A_727 : vector<16xi1>, vector<16xf32>
        %parallel_loop3A_729 = arith.cmpf ole, %parallel_loop3A_681, %parallel_loop3A_728 : vector<16xf32>
        %parallel_loop3A_730 = arith.select %parallel_loop3A_729, %parallel_loop3A_722, %parallel_loop3A_654 : vector<16xi1>, vector<16xf32>
        %parallel_loop3A_731 = arith.cmpf ole, %parallel_loop3A_685, %parallel_loop3A_728 : vector<16xf32>
        %parallel_loop3A_732 = arith.select %parallel_loop3A_731, %parallel_loop3A_722, %parallel_loop3A_655 : vector<16xi1>, vector<16xf32>
        %parallel_loop3A_733 = arith.cmpf ole, %parallel_loop3A_688, %parallel_loop3A_728 : vector<16xf32>
        %parallel_loop3A_734 = arith.select %parallel_loop3A_733, %parallel_loop3A_722, %parallel_loop3A_656 : vector<16xi1>, vector<16xf32>
        %parallel_loop3A_735 = arith.cmpf ole, %parallel_loop3A_690, %parallel_loop3A_728 : vector<16xf32>
        %parallel_loop3A_736 = arith.select %parallel_loop3A_735, %parallel_loop3A_722, %parallel_loop3A_657 : vector<16xi1>, vector<16xf32>
        tpu.vector_store_idx %arg8[%parallel_loop3A_640, %parallel_loop3A_650], %parallel_loop3A_730 : memref<96x128xf32, #tpu.memory_space<vmem>>[vector<16xi32>, vector<16xi32>], vector<16xf32>,
        tpu.vector_store_idx %arg8[%parallel_loop3A_640, %parallel_loop3A_653], %parallel_loop3A_732 : memref<96x128xf32, #tpu.memory_space<vmem>>[vector<16xi32>, vector<16xi32>], vector<16xf32>,
        tpu.vector_store_idx %arg11[%parallel_loop3A_640, %parallel_loop3A_650], %parallel_loop3A_734 : memref<96x128xf32, #tpu.memory_space<vmem>>[vector<16xi32>, vector<16xi32>], vector<16xf32>,
        tpu.vector_store_idx %arg11[%parallel_loop3A_640, %parallel_loop3A_653], %parallel_loop3A_736 : memref<96x128xf32, #tpu.memory_space<vmem>>[vector<16xi32>, vector<16xi32>], vector<16xf32>,
        tpu.vector_store_idx %arg14[%parallel_loop3A_647, %parallel_loop3A_640], %parallel_loop3A_722 : memref<64x96xf32, #tpu.memory_space<vmem>>[vector<16xi32>, vector<16xi32>], vector<16xf32>,
      } {sc.loop_unroll_factor = 1 : i64, sc.parallel_access}
      %jit3A_529 = arith.constant 3 : i32
      %div3A_530 = arith.divsi %add3A_495, %jit3A_529 : i32
      %sign3A_531 = arith.constant 0 : i32
      %sign3A_532 = arith.cmpi sgt, %add3A_495, %sign3A_531 : i32
      %sign3A_533 = arith.extui %sign3A_532 : i1 to i32
      %sign3A_534 = arith.constant 0 : i32
      %sign3A_535 = arith.cmpi slt, %add3A_495, %sign3A_534 : i32
      %sign3A_536 = arith.extui %sign3A_535 : i1 to i32
      %sign3A_537 = arith.subi %sign3A_533, %sign3A_536 : i32
      %sign3A_538 = arith.constant 0 : i32
      %sign3A_539 = arith.cmpi sgt, %jit3A_529, %sign3A_538 : i32
      %sign3A_540 = arith.extui %sign3A_539 : i1 to i32
      %sign3A_541 = arith.constant 0 : i32
      %sign3A_542 = arith.cmpi slt, %jit3A_529, %sign3A_541 : i32
      %sign3A_543 = arith.extui %sign3A_542 : i1 to i32
      %sign3A_544 = arith.subi %sign3A_540, %sign3A_543 : i32
      %ne3A_545 = arith.cmpi ne, %sign3A_537, %sign3A_544 : i32
      %rem3A_546 = arith.remsi %add3A_495, %jit3A_529 : i32
      %ne3A_547 = arith.constant 0 : i32
      %ne3A_548 = arith.cmpi ne, %rem3A_546, %ne3A_547 : i32
      %and3A_549 = arith.andi %ne3A_545, %ne3A_548 : i1
      %sub3A_550 = arith.constant 1 : i32
      %sub3A_551 = arith.subi %div3A_530, %sub3A_550 : i32
      %select_n3A_552 = arith.select %and3A_549, %sub3A_551, %div3A_530 : i32
      %add3A_553 = arith.addi %mul3A_2, %select_n3A_552 : i32
      %jit3A_554 = arith.constant 3 : i32
      %div3A_555 = arith.divsi %add3A_495, %jit3A_554 : i32
      %sign3A_556 = arith.constant 0 : i32
      %sign3A_557 = arith.cmpi sgt, %add3A_495, %sign3A_556 : i32
      %sign3A_558 = arith.extui %sign3A_557 : i1 to i32
      %sign3A_559 = arith.constant 0 : i32
      %sign3A_560 = arith.cmpi slt, %add3A_495, %sign3A_559 : i32
      %sign3A_561 = arith.extui %sign3A_560 : i1 to i32
      %sign3A_562 = arith.subi %sign3A_558, %sign3A_561 : i32
      %sign3A_563 = arith.constant 0 : i32
      %sign3A_564 = arith.cmpi sgt, %jit3A_554, %sign3A_563 : i32
      %sign3A_565 = arith.extui %sign3A_564 : i1 to i32
      %sign3A_566 = arith.constant 0 : i32
      %sign3A_567 = arith.cmpi slt, %jit3A_554, %sign3A_566 : i32
      %sign3A_568 = arith.extui %sign3A_567 : i1 to i32
      %sign3A_569 = arith.subi %sign3A_565, %sign3A_568 : i32
      %ne3A_570 = arith.cmpi ne, %sign3A_562, %sign3A_569 : i32
      %rem3A_571 = arith.remsi %add3A_495, %jit3A_554 : i32
      %ne3A_572 = arith.constant 0 : i32
      %ne3A_573 = arith.cmpi ne, %rem3A_571, %ne3A_572 : i32
      %and3A_574 = arith.andi %ne3A_570, %ne3A_573 : i1
      %sub3A_575 = arith.constant 1 : i32
      %sub3A_576 = arith.subi %div3A_555, %sub3A_575 : i32
      %select_n3A_577 = arith.select %and3A_574, %sub3A_576, %div3A_555 : i32
      %mul3A_578 = arith.constant 3 : i32
      %mul3A_579 = arith.muli %select_n3A_577, %mul3A_578 : i32
      %sub3A_580 = arith.subi %add3A_495, %mul3A_579 : i32
      %mul3A_581 = arith.constant 192 : i32
      %mul3A_582 = arith.muli %select_n3A, %mul3A_581 : i32
      %sub3A_583 = arith.subi %add3A_553, %mul3A_582 : i32
      %mul3A_584 = arith.constant 2 : i32
      %mul3A_585 = arith.muli %mul3A_584, %sub3A_583 : i32
      %mul3A_586 = arith.constant 128 : i32
      %mul3A_587 = arith.muli %sub3A_580, %mul3A_586 : i32
      %dma_start3A_588 = arith.constant 0 : i32
      %dma_start3A_589 = tpu.memref_slice %arg4[%select_n3A, %mul3A_585, %dma_start3A_588, %mul3A_587] : memref<4x384x96x384xf32, #tpu.memory_space<hbm>> -> memref<1x1x96x128xf32, #tpu.memory_space<hbm>>
      %dma_start3A_590 = tpu.memref_squeeze %dma_start3A_589 : memref<1x1x96x128xf32, #tpu.memory_space<hbm>> -> memref<96x128xf32, #tpu.memory_space<hbm>>
      %dma_start3A_591 = arith.constant 0 : i32
      %dma_start3A_592 = tpu.memref_slice %arg4[%select_n3A, %mul3A_585, %dma_start3A_591, %mul3A_587] : memref<4x384x96x384xf32, #tpu.memory_space<hbm>> -> memref<1x1x96x128xf32, #tpu.memory_space<hbm>>
      %dma_start3A_593 = tpu.memref_squeeze %dma_start3A_592 : memref<1x1x96x128xf32, #tpu.memory_space<hbm>> -> memref<96x128xf32, #tpu.memory_space<hbm>>
      tpu.enqueue_dma source(%arg8 : memref<96x128xf32, #tpu.memory_space<vmem>>) target(%dma_start3A_593 : memref<96x128xf32, #tpu.memory_space<hbm>>) target_semaphore(%arg20 : memref<!tpu.dma_semaphore, #tpu.memory_space<semaphore_mem>>)
      %mul3A_594 = arith.constant 2 : i32
      %mul3A_595 = arith.muli %mul3A_594, %sub3A_583 : i32
      %add3A_596 = arith.constant 1 : i32
      %add3A_597 = arith.addi %mul3A_595, %add3A_596 : i32
      %mul3A_598 = arith.constant 128 : i32
      %mul3A_599 = arith.muli %sub3A_580, %mul3A_598 : i32
      %dma_start3A_600 = arith.constant 0 : i32
      %dma_start3A_601 = tpu.memref_slice %arg4[%select_n3A, %add3A_597, %dma_start3A_600, %mul3A_599] : memref<4x384x96x384xf32, #tpu.memory_space<hbm>> -> memref<1x1x96x128xf32, #tpu.memory_space<hbm>>
      %dma_start3A_602 = tpu.memref_squeeze %dma_start3A_601 : memref<1x1x96x128xf32, #tpu.memory_space<hbm>> -> memref<96x128xf32, #tpu.memory_space<hbm>>
      %dma_start3A_603 = arith.constant 0 : i32
      %dma_start3A_604 = tpu.memref_slice %arg4[%select_n3A, %add3A_597, %dma_start3A_603, %mul3A_599] : memref<4x384x96x384xf32, #tpu.memory_space<hbm>> -> memref<1x1x96x128xf32, #tpu.memory_space<hbm>>
      %dma_start3A_605 = tpu.memref_squeeze %dma_start3A_604 : memref<1x1x96x128xf32, #tpu.memory_space<hbm>> -> memref<96x128xf32, #tpu.memory_space<hbm>>
      tpu.enqueue_dma source(%arg11 : memref<96x128xf32, #tpu.memory_space<vmem>>) target(%dma_start3A_605 : memref<96x128xf32, #tpu.memory_space<hbm>>) target_semaphore(%arg20 : memref<!tpu.dma_semaphore, #tpu.memory_space<semaphore_mem>>)
      %mul3A_606 = arith.constant 64 : i32
      %mul3A_607 = arith.muli %sub3A_580, %mul3A_606 : i32
      %dma_start3A_608 = arith.constant 0 : i32
      %dma_start3A_609 = tpu.memref_slice %arg5[%select_n3A, %sub3A_583, %mul3A_607, %dma_start3A_608] : memref<4x192x192x96xf32, #tpu.memory_space<hbm>> -> memref<1x1x64x96xf32, #tpu.memory_space<hbm>>
      %dma_start3A_610 = tpu.memref_squeeze %dma_start3A_609 : memref<1x1x64x96xf32, #tpu.memory_space<hbm>> -> memref<64x96xf32, #tpu.memory_space<hbm>>
      %dma_start3A_611 = arith.constant 0 : i32
      %dma_start3A_612 = tpu.memref_slice %arg5[%select_n3A, %sub3A_583, %mul3A_607, %dma_start3A_611] : memref<4x192x192x96xf32, #tpu.memory_space<hbm>> -> memref<1x1x64x96xf32, #tpu.memory_space<hbm>>
      %dma_start3A_613 = tpu.memref_squeeze %dma_start3A_612 : memref<1x1x64x96xf32, #tpu.memory_space<hbm>> -> memref<64x96xf32, #tpu.memory_space<hbm>>
      tpu.enqueue_dma source(%arg14 : memref<64x96xf32, #tpu.memory_space<vmem>>) target(%dma_start3A_613 : memref<64x96xf32, #tpu.memory_space<hbm>>) target_semaphore(%arg20 : memref<!tpu.dma_semaphore, #tpu.memory_space<semaphore_mem>>)
      %ge3A_614 = arith.constant 1 : i32
      %ge3A_615 = arith.cmpi sge, %add3A_495, %ge3A_614 : i32
      %convert_element_type3A_616 = arith.extui %ge3A_615 : i1 to i32
      %cond3A_617 = arith.constant 0 : i32
      %cond3A_618 = arith.cmpi ne, %convert_element_type3A_616, %cond3A_617 : i32
      scf.if %cond3A_618 {
        %dma_wait3A_626 = arith.constant 0 : i32
        %dma_wait3A_627 = arith.constant 0 : i32
        %dma_wait3A_628 = arith.constant 0 : i32
        %dma_wait3A_629 = arith.constant 0 : i32
        %dma_wait3A_630 = tpu.memref_slice %arg4[%dma_wait3A_626, %dma_wait3A_627, %dma_wait3A_628, %dma_wait3A_629] : memref<4x384x96x384xf32, #tpu.memory_space<hbm>> -> memref<1x1x96x128xf32, #tpu.memory_space<hbm>>
        %dma_wait3A_631 = tpu.memref_squeeze %dma_wait3A_630 : memref<1x1x96x128xf32, #tpu.memory_space<hbm>> -> memref<96x128xf32, #tpu.memory_space<hbm>>
        %dma_wait3A_632 = arith.constant 0 : i32
        %dma_wait3A_633 = arith.constant 0 : i32
        %dma_wait3A_634 = tpu.memref_slice %arg4[%dma_wait3A_626, %dma_wait3A_627, %dma_wait3A_632, %dma_wait3A_633] : memref<4x384x96x384xf32, #tpu.memory_space<hbm>> -> memref<1x1x96x128xf32, #tpu.memory_space<hbm>>
        %dma_wait3A_635 = tpu.memref_squeeze %dma_wait3A_634 : memref<1x1x96x128xf32, #tpu.memory_space<hbm>> -> memref<96x128xf32, #tpu.memory_space<hbm>>
        tpu.wait_dma2 semaphore(%arg19 : memref<!tpu.dma_semaphore, #tpu.memory_space<semaphore_mem>>) src(%arg7 : memref<96x128xf32, #tpu.memory_space<vmem>>) dst(%dma_wait3A_635 : memref<96x128xf32, #tpu.memory_space<hbm>>)
        %dma_wait3A_636 = arith.constant 0 : i32
        %dma_wait3A_637 = arith.constant 0 : i32
        %dma_wait3A_638 = arith.constant 0 : i32
        %dma_wait3A_639 = arith.constant 0 : i32
        %dma_wait3A_640 = tpu.memref_slice %arg4[%dma_wait3A_636, %dma_wait3A_637, %dma_wait3A_638, %dma_wait3A_639] : memref<4x384x96x384xf32, #tpu.memory_space<hbm>> -> memref<1x1x96x128xf32, #tpu.memory_space<hbm>>
        %dma_wait3A_641 = tpu.memref_squeeze %dma_wait3A_640 : memref<1x1x96x128xf32, #tpu.memory_space<hbm>> -> memref<96x128xf32, #tpu.memory_space<hbm>>
        %dma_wait3A_642 = arith.constant 0 : i32
        %dma_wait3A_643 = arith.constant 0 : i32
        %dma_wait3A_644 = tpu.memref_slice %arg4[%dma_wait3A_636, %dma_wait3A_637, %dma_wait3A_642, %dma_wait3A_643] : memref<4x384x96x384xf32, #tpu.memory_space<hbm>> -> memref<1x1x96x128xf32, #tpu.memory_space<hbm>>
        %dma_wait3A_645 = tpu.memref_squeeze %dma_wait3A_644 : memref<1x1x96x128xf32, #tpu.memory_space<hbm>> -> memref<96x128xf32, #tpu.memory_space<hbm>>
        tpu.wait_dma2 semaphore(%arg19 : memref<!tpu.dma_semaphore, #tpu.memory_space<semaphore_mem>>) src(%arg10 : memref<96x128xf32, #tpu.memory_space<vmem>>) dst(%dma_wait3A_645 : memref<96x128xf32, #tpu.memory_space<hbm>>)
        %dma_wait3A_646 = arith.constant 0 : i32
        %dma_wait3A_647 = arith.constant 0 : i32
        %dma_wait3A_648 = arith.constant 0 : i32
        %dma_wait3A_649 = arith.constant 0 : i32
        %dma_wait3A_650 = tpu.memref_slice %arg5[%dma_wait3A_646, %dma_wait3A_647, %dma_wait3A_648, %dma_wait3A_649] : memref<4x192x192x96xf32, #tpu.memory_space<hbm>> -> memref<1x1x64x96xf32, #tpu.memory_space<hbm>>
        %dma_wait3A_651 = tpu.memref_squeeze %dma_wait3A_650 : memref<1x1x64x96xf32, #tpu.memory_space<hbm>> -> memref<64x96xf32, #tpu.memory_space<hbm>>
        %dma_wait3A_652 = arith.constant 0 : i32
        %dma_wait3A_653 = arith.constant 0 : i32
        %dma_wait3A_654 = tpu.memref_slice %arg5[%dma_wait3A_646, %dma_wait3A_647, %dma_wait3A_652, %dma_wait3A_653] : memref<4x192x192x96xf32, #tpu.memory_space<hbm>> -> memref<1x1x64x96xf32, #tpu.memory_space<hbm>>
        %dma_wait3A_655 = tpu.memref_squeeze %dma_wait3A_654 : memref<1x1x64x96xf32, #tpu.memory_space<hbm>> -> memref<64x96xf32, #tpu.memory_space<hbm>>
        tpu.wait_dma2 semaphore(%arg19 : memref<!tpu.dma_semaphore, #tpu.memory_space<semaphore_mem>>) src(%arg13 : memref<64x96xf32, #tpu.memory_space<vmem>>) dst(%dma_wait3A_655 : memref<64x96xf32, #tpu.memory_space<hbm>>)
      } else {
      }
      %add3A_619 = arith.constant 2 : i32
      %add3A_620 = arith.addi %add3A_495, %add3A_619 : i32
      %lt3A_621 = arith.constant 72 : i32
      %lt3A_622 = arith.cmpi slt, %add3A_620, %lt3A_621 : i32
      %convert_element_type3A_623 = arith.extui %lt3A_622 : i1 to i32
      %cond3A_624 = arith.constant 0 : i32
      %cond3A_625 = arith.cmpi ne, %convert_element_type3A_623, %cond3A_624 : i32
      scf.if %cond3A_625 {
        %add3A_626 = arith.constant 2 : i32
        %add3A_627 = arith.addi %add3A_495, %add3A_626 : i32
        %jit3A_628 = arith.constant 3 : i32
        %div3A_629 = arith.divsi %add3A_627, %jit3A_628 : i32
        %sign3A_630 = arith.constant 0 : i32
        %sign3A_631 = arith.cmpi sgt, %add3A_627, %sign3A_630 : i32
        %sign3A_632 = arith.extui %sign3A_631 : i1 to i32
        %sign3A_633 = arith.constant 0 : i32
        %sign3A_634 = arith.cmpi slt, %add3A_627, %sign3A_633 : i32
        %sign3A_635 = arith.extui %sign3A_634 : i1 to i32
        %sign3A_636 = arith.subi %sign3A_632, %sign3A_635 : i32
        %sign3A_637 = arith.constant 0 : i32
        %sign3A_638 = arith.cmpi sgt, %jit3A_628, %sign3A_637 : i32
        %sign3A_639 = arith.extui %sign3A_638 : i1 to i32
        %sign3A_640 = arith.constant 0 : i32
        %sign3A_641 = arith.cmpi slt, %jit3A_628, %sign3A_640 : i32
        %sign3A_642 = arith.extui %sign3A_641 : i1 to i32
        %sign3A_643 = arith.subi %sign3A_639, %sign3A_642 : i32
        %ne3A_644 = arith.cmpi ne, %sign3A_636, %sign3A_643 : i32
        %rem3A_645 = arith.remsi %add3A_627, %jit3A_628 : i32
        %ne3A_646 = arith.constant 0 : i32
        %ne3A_647 = arith.cmpi ne, %rem3A_645, %ne3A_646 : i32
        %and3A_648 = arith.andi %ne3A_644, %ne3A_647 : i1
        %sub3A_649 = arith.constant 1 : i32
        %sub3A_650 = arith.subi %div3A_629, %sub3A_649 : i32
        %select_n3A_651 = arith.select %and3A_648, %sub3A_650, %div3A_629 : i32
        %add3A_652 = arith.addi %mul3A_2, %select_n3A_651 : i32
        %jit3A_653 = arith.constant 3 : i32
        %div3A_654 = arith.divsi %add3A_627, %jit3A_653 : i32
        %sign3A_655 = arith.constant 0 : i32
        %sign3A_656 = arith.cmpi sgt, %add3A_627, %sign3A_655 : i32
        %sign3A_657 = arith.extui %sign3A_656 : i1 to i32
        %sign3A_658 = arith.constant 0 : i32
        %sign3A_659 = arith.cmpi slt, %add3A_627, %sign3A_658 : i32
        %sign3A_660 = arith.extui %sign3A_659 : i1 to i32
        %sign3A_661 = arith.subi %sign3A_657, %sign3A_660 : i32
        %sign3A_662 = arith.constant 0 : i32
        %sign3A_663 = arith.cmpi sgt, %jit3A_653, %sign3A_662 : i32
        %sign3A_664 = arith.extui %sign3A_663 : i1 to i32
        %sign3A_665 = arith.constant 0 : i32
        %sign3A_666 = arith.cmpi slt, %jit3A_653, %sign3A_665 : i32
        %sign3A_667 = arith.extui %sign3A_666 : i1 to i32
        %sign3A_668 = arith.subi %sign3A_664, %sign3A_667 : i32
        %ne3A_669 = arith.cmpi ne, %sign3A_661, %sign3A_668 : i32
        %rem3A_670 = arith.remsi %add3A_627, %jit3A_653 : i32
        %ne3A_671 = arith.constant 0 : i32
        %ne3A_672 = arith.cmpi ne, %rem3A_670, %ne3A_671 : i32
        %and3A_673 = arith.andi %ne3A_669, %ne3A_672 : i1
        %sub3A_674 = arith.constant 1 : i32
        %sub3A_675 = arith.subi %div3A_654, %sub3A_674 : i32
        %select_n3A_676 = arith.select %and3A_673, %sub3A_675, %div3A_654 : i32
        %mul3A_677 = arith.constant 3 : i32
        %mul3A_678 = arith.muli %select_n3A_676, %mul3A_677 : i32
        %sub3A_679 = arith.subi %add3A_627, %mul3A_678 : i32
        %mul3A_680 = arith.constant 192 : i32
        %mul3A_681 = arith.muli %select_n3A, %mul3A_680 : i32
        %sub3A_682 = arith.subi %add3A_652, %mul3A_681 : i32
        %mul3A_683 = arith.constant 2 : i32
        %mul3A_684 = arith.muli %mul3A_683, %sub3A_682 : i32
        %mul3A_685 = arith.constant 128 : i32
        %mul3A_686 = arith.muli %sub3A_679, %mul3A_685 : i32
        %dma_start3A_687 = arith.constant 0 : i32
        %dma_start3A_688 = tpu.memref_slice %arg2[%select_n3A, %mul3A_684, %dma_start3A_687, %mul3A_686] : memref<4x384x96x384xf32, #tpu.memory_space<hbm>> -> memref<1x1x96x128xf32, #tpu.memory_space<hbm>>
        %dma_start3A_689 = tpu.memref_squeeze %dma_start3A_688 : memref<1x1x96x128xf32, #tpu.memory_space<hbm>> -> memref<96x128xf32, #tpu.memory_space<hbm>>
        %dma_start3A_690 = arith.constant 0 : i32
        %dma_start3A_691 = tpu.memref_slice %arg2[%select_n3A, %mul3A_684, %dma_start3A_690, %mul3A_686] : memref<4x384x96x384xf32, #tpu.memory_space<hbm>> -> memref<1x1x96x128xf32, #tpu.memory_space<hbm>>
        %dma_start3A_692 = tpu.memref_squeeze %dma_start3A_691 : memref<1x1x96x128xf32, #tpu.memory_space<hbm>> -> memref<96x128xf32, #tpu.memory_space<hbm>>
        tpu.enqueue_dma source(%dma_start3A_692 : memref<96x128xf32, #tpu.memory_space<hbm>>) target(%arg7 : memref<96x128xf32, #tpu.memory_space<vmem>>) target_semaphore(%arg16 : memref<!tpu.dma_semaphore, #tpu.memory_space<semaphore_mem>>)
        %mul3A_693 = arith.constant 2 : i32
        %mul3A_694 = arith.muli %mul3A_693, %sub3A_682 : i32
        %add3A_695 = arith.constant 1 : i32
        %add3A_696 = arith.addi %mul3A_694, %add3A_695 : i32
        %mul3A_697 = arith.constant 128 : i32
        %mul3A_698 = arith.muli %sub3A_679, %mul3A_697 : i32
        %dma_start3A_699 = arith.constant 0 : i32
        %dma_start3A_700 = tpu.memref_slice %arg2[%select_n3A, %add3A_696, %dma_start3A_699, %mul3A_698] : memref<4x384x96x384xf32, #tpu.memory_space<hbm>> -> memref<1x1x96x128xf32, #tpu.memory_space<hbm>>
        %dma_start3A_701 = tpu.memref_squeeze %dma_start3A_700 : memref<1x1x96x128xf32, #tpu.memory_space<hbm>> -> memref<96x128xf32, #tpu.memory_space<hbm>>
        %dma_start3A_702 = arith.constant 0 : i32
        %dma_start3A_703 = tpu.memref_slice %arg2[%select_n3A, %add3A_696, %dma_start3A_702, %mul3A_698] : memref<4x384x96x384xf32, #tpu.memory_space<hbm>> -> memref<1x1x96x128xf32, #tpu.memory_space<hbm>>
        %dma_start3A_704 = tpu.memref_squeeze %dma_start3A_703 : memref<1x1x96x128xf32, #tpu.memory_space<hbm>> -> memref<96x128xf32, #tpu.memory_space<hbm>>
        tpu.enqueue_dma source(%dma_start3A_704 : memref<96x128xf32, #tpu.memory_space<hbm>>) target(%arg10 : memref<96x128xf32, #tpu.memory_space<vmem>>) target_semaphore(%arg16 : memref<!tpu.dma_semaphore, #tpu.memory_space<semaphore_mem>>)
        %mul3A_705 = arith.constant 64 : i32
        %mul3A_706 = arith.muli %sub3A_679, %mul3A_705 : i32
        %dma_start3A_707 = arith.constant 0 : i32
        %dma_start3A_708 = tpu.memref_slice %arg3[%select_n3A, %sub3A_682, %mul3A_706, %dma_start3A_707] : memref<4x192x192x96xf32, #tpu.memory_space<hbm>> -> memref<1x1x64x96xf32, #tpu.memory_space<hbm>>
        %dma_start3A_709 = tpu.memref_squeeze %dma_start3A_708 : memref<1x1x64x96xf32, #tpu.memory_space<hbm>> -> memref<64x96xf32, #tpu.memory_space<hbm>>
        %dma_start3A_710 = arith.constant 0 : i32
        %dma_start3A_711 = tpu.memref_slice %arg3[%select_n3A, %sub3A_682, %mul3A_706, %dma_start3A_710] : memref<4x192x192x96xf32, #tpu.memory_space<hbm>> -> memref<1x1x64x96xf32, #tpu.memory_space<hbm>>
        %dma_start3A_712 = tpu.memref_squeeze %dma_start3A_711 : memref<1x1x64x96xf32, #tpu.memory_space<hbm>> -> memref<64x96xf32, #tpu.memory_space<hbm>>
        tpu.enqueue_dma source(%dma_start3A_712 : memref<64x96xf32, #tpu.memory_space<hbm>>) target(%arg13 : memref<64x96xf32, #tpu.memory_space<vmem>>) target_semaphore(%arg16 : memref<!tpu.dma_semaphore, #tpu.memory_space<semaphore_mem>>)
      } else {
      }
    }
    %scan3A_198 = arith.constant 24 : i32
    %dma_wait3A = arith.constant 0 : i32
    %dma_wait3A_199 = arith.constant 0 : i32
    %dma_wait3A_200 = arith.constant 0 : i32
    %dma_wait3A_201 = arith.constant 0 : i32
    %dma_wait3A_202 = tpu.memref_slice %arg4[%dma_wait3A, %dma_wait3A_199, %dma_wait3A_200, %dma_wait3A_201] : memref<4x384x96x384xf32, #tpu.memory_space<hbm>> -> memref<1x1x96x128xf32, #tpu.memory_space<hbm>>
    %dma_wait3A_203 = tpu.memref_squeeze %dma_wait3A_202 : memref<1x1x96x128xf32, #tpu.memory_space<hbm>> -> memref<96x128xf32, #tpu.memory_space<hbm>>
    %dma_wait3A_204 = arith.constant 0 : i32
    %dma_wait3A_205 = arith.constant 0 : i32
    %dma_wait3A_206 = tpu.memref_slice %arg4[%dma_wait3A, %dma_wait3A_199, %dma_wait3A_204, %dma_wait3A_205] : memref<4x384x96x384xf32, #tpu.memory_space<hbm>> -> memref<1x1x96x128xf32, #tpu.memory_space<hbm>>
    %dma_wait3A_207 = tpu.memref_squeeze %dma_wait3A_206 : memref<1x1x96x128xf32, #tpu.memory_space<hbm>> -> memref<96x128xf32, #tpu.memory_space<hbm>>
    tpu.wait_dma2 semaphore(%arg20 : memref<!tpu.dma_semaphore, #tpu.memory_space<semaphore_mem>>) src(%arg8 : memref<96x128xf32, #tpu.memory_space<vmem>>) dst(%dma_wait3A_207 : memref<96x128xf32, #tpu.memory_space<hbm>>)
    %dma_wait3A_208 = arith.constant 0 : i32
    %dma_wait3A_209 = arith.constant 0 : i32
    %dma_wait3A_210 = arith.constant 0 : i32
    %dma_wait3A_211 = arith.constant 0 : i32
    %dma_wait3A_212 = tpu.memref_slice %arg4[%dma_wait3A_208, %dma_wait3A_209, %dma_wait3A_210, %dma_wait3A_211] : memref<4x384x96x384xf32, #tpu.memory_space<hbm>> -> memref<1x1x96x128xf32, #tpu.memory_space<hbm>>
    %dma_wait3A_213 = tpu.memref_squeeze %dma_wait3A_212 : memref<1x1x96x128xf32, #tpu.memory_space<hbm>> -> memref<96x128xf32, #tpu.memory_space<hbm>>
    %dma_wait3A_214 = arith.constant 0 : i32
    %dma_wait3A_215 = arith.constant 0 : i32
    %dma_wait3A_216 = tpu.memref_slice %arg4[%dma_wait3A_208, %dma_wait3A_209, %dma_wait3A_214, %dma_wait3A_215] : memref<4x384x96x384xf32, #tpu.memory_space<hbm>> -> memref<1x1x96x128xf32, #tpu.memory_space<hbm>>
    %dma_wait3A_217 = tpu.memref_squeeze %dma_wait3A_216 : memref<1x1x96x128xf32, #tpu.memory_space<hbm>> -> memref<96x128xf32, #tpu.memory_space<hbm>>
    tpu.wait_dma2 semaphore(%arg20 : memref<!tpu.dma_semaphore, #tpu.memory_space<semaphore_mem>>) src(%arg11 : memref<96x128xf32, #tpu.memory_space<vmem>>) dst(%dma_wait3A_217 : memref<96x128xf32, #tpu.memory_space<hbm>>)
    %dma_wait3A_218 = arith.constant 0 : i32
    %dma_wait3A_219 = arith.constant 0 : i32
    %dma_wait3A_220 = arith.constant 0 : i32
    %dma_wait3A_221 = arith.constant 0 : i32
    %dma_wait3A_222 = tpu.memref_slice %arg5[%dma_wait3A_218, %dma_wait3A_219, %dma_wait3A_220, %dma_wait3A_221] : memref<4x192x192x96xf32, #tpu.memory_space<hbm>> -> memref<1x1x64x96xf32, #tpu.memory_space<hbm>>
    %dma_wait3A_223 = tpu.memref_squeeze %dma_wait3A_222 : memref<1x1x64x96xf32, #tpu.memory_space<hbm>> -> memref<64x96xf32, #tpu.memory_space<hbm>>
    %dma_wait3A_224 = arith.constant 0 : i32
    %dma_wait3A_225 = arith.constant 0 : i32
    %dma_wait3A_226 = tpu.memref_slice %arg5[%dma_wait3A_218, %dma_wait3A_219, %dma_wait3A_224, %dma_wait3A_225] : memref<4x192x192x96xf32, #tpu.memory_space<hbm>> -> memref<1x1x64x96xf32, #tpu.memory_space<hbm>>
    %dma_wait3A_227 = tpu.memref_squeeze %dma_wait3A_226 : memref<1x1x64x96xf32, #tpu.memory_space<hbm>> -> memref<64x96xf32, #tpu.memory_space<hbm>>
    tpu.wait_dma2 semaphore(%arg20 : memref<!tpu.dma_semaphore, #tpu.memory_space<semaphore_mem>>) src(%arg14 : memref<64x96xf32, #tpu.memory_space<vmem>>) dst(%dma_wait3A_227 : memref<64x96xf32, #tpu.memory_space<hbm>>)
    return
  }
}

</mosaic_0001>

<sc_bundles>
// kernel: kernel.3.cloned.1.call-start
scs
__scs_entry_jumppad:
0x0: {  	(pc) =	sbr.rel $0x88, $3  }
0x1: {  	(tag) =	ssettag $0x0;
	lr =	simm.s32 $0x1  }
0x2: {  	[smem:$0x3F9F] =	sst lr;
	_ =	strace $0xD0000000  }
0x3: {  	_ = 	snop  }
0x4: {  	_ = 	snop  }
0x5: {  	_ = 	snop  }
0x6: {  	_ = 	snop  }
0x7: {  	_ = 	snop  }
__scs_overlays_trampoline_lowered:
0x8: {  	[smem:$0x3FAE] =	sst s0  }
0x9: {  	[smem:$0x3FAF] =	sst s1  }
0xa: {  	[smem:$0x3FB0] =	sst s2  }
0xb: {  	[smem:$0x3FB1] =	sst s3  }
0xc: {  	[smem:$0x3FB2] =	sst s4  }
0xd: {  	[smem:$0x3FB3] =	sst s5  }
0xe: {  	[smem:$0x3FB4] =	sst s6  }
0xf: {  	[smem:$0x3FB5] =	sst s7  }
0x10: {  	[smem:$0x3FB6] =	sst s8  }
0x11: {  	[smem:$0x3FB7] =	sst s9;
	s0 =	simm.s32 @!p0 $0x0  }
0x12: {  	s1 =	sld [smem:$0x3F9D];
	s0 =	simm.s32 @p0 $0x1  }
0x13: {  	[smem:$0x3FB8] =	sst s0;
	s0 =	simm.s32 @!p1 $0x0  }
0x14: {  	s2 =	sld [smem:$0x3F9C];
	s0 =	simm.s32 @p1 $0x1  }
0x15: {  	[smem:$0x3FB9] =	sst s0;
	s0 =	simm.s32 @!p2 $0x0  }
0x16: {  	s3 =	sld [smem:$0x3FDB];
	s0 =	simm.s32 @p2 $0x1  }
0x17: {  	s4 =	simm.s32 $0x1BF5;
	[smem:$0x3FBB] =	sst s0  }
0x18: {  	s0 =	sld [smem:$0x3F9E];
	_ =	swait.ge [sflag:s4], $0x0  }
0x19: {  	s7 =	sld [smem:$0x3F9F]  }
0x1a: {  	s8 =	sadd.s32 $0xFFFFE003, lr  }
0x1b: {  	s9 =	sadd.s32 $0xFFFFFEF7, lr;
	s5 =	simm.s32 $0xFFFFFFFF;
	p2 =	slt.u32 s8, $0xFFFFF086  }
0x1c: {  	p1 =	slt.u32 s9, $0xF7A;
	s5 =	simm.s32 @!p2 $0x0  }
0x1d: {  	s5 =	simm.s32 @p1 $0x1;
	p0 =	seq.s32 s7, s2  }
0x1e: {  	s7 =	smul.u32 @!p0 $0xF7A, s2;
	p2 =	seq.s32 @!p0 s5, $0x0  }
0x1f: {  	s9 =	smul.u32 $0xF7A, s1;
	s8 =	simm.s32 @!p0 $0x1BF5;
	p2 =	por !p2, p0  }
0x20: {  	[sflag:s8] =	ssyncset.s32 @!p0 $0xFFFFF086;
	s6 =	sadd.s32 @!p0 s3, s7;
	s7 =	simm.s32 @!p0 $0x108  }
0x21: {  	s3 =	sadd.s32 s3, s9;
	s6 =	sadd.s32 @!p0 $0x88, s6;
	s7 =	simm.s32 @p2 $0x1082  }
0x22: {  	[simem:s7], [sflag:s8] =	dma.local @!p0 [hbm:s6], $0xF7A  }
0x23: {  	s9 =	sor.u32 $0xD0000000, s2;
	s6 =	simm.s32 $0x108;
	_ =	swait.ge @!p0 [sflag:s8], $0x0  }
0x24: {  	s3 =	sadd.s32 $0x88, s3;
	s6 =	simm.s32 @!p1 $0x1082;
	[sflag:s4] =	ssyncset.s32 $0xFFFFF086  }
0x25: {  	[simem:s6], [sflag:s4] =	dma.local [hbm:s3], $0xF7A  }
0x26: {  	[smem:$0x3F9F] =	sst s1;
	(tag) =	ssettag s2;
	_ =	strace s9  }
0x27: {  	s1 =	sld [smem:$0x3FAF]  }
0x28: {  	s2 =	sld [smem:$0x3FB0]  }
0x29: {  	s4 =	sld [smem:$0x3FB2]  }
0x2a: {  	p0 =	seq.s32 s5, $0x0;
	s5 =	sld [smem:$0x3FB3]  }
0x2b: {  	s6 =	sld [smem:$0x3FB4]  }
0x2c: {  	s7 =	sld [smem:$0x3FB5]  }
0x2d: {  	s3 =	simm.s32 $0x108;
	s8 =	sld [smem:$0x3FB6]  }
0x2e: {  	s3 =	simm.s32 @!p0 $0x1082;
	s9 =	sld [smem:$0x3FB7]  }
0x2f: {  	lr =	sadd.s32 s0, s3;
	s0 =	sld [smem:$0x3FAE]  }
0x30: {  	s3 =	sld [smem:$0x3FB1]  }
0x31: {  	[smem:$0x3FBA] =	sst s10  }
0x32: {  	s10 =	sld [smem:$0x3FB8];
	_ =	sdelay $0x3  }
0x33: {  	p0 =	seq.s32 s10, $0x1;
	s10 =	sld [smem:$0x3FBA];
	_ =	sdelay $0x3  }
0x34: {  	[smem:$0x3FBA] =	sst s10  }
0x35: {  	s10 =	sld [smem:$0x3FB9];
	_ =	sdelay $0x3  }
0x36: {  	p1 =	seq.s32 s10, $0x1;
	s10 =	sld [smem:$0x3FBA];
	_ =	sdelay $0x3  }
0x37: {  	[smem:$0x3FBA] =	sst s10  }
0x38: {  	s10 =	sld [smem:$0x3FBB]  }
0x39: {  	_ = 	snop;
	(pc) =	sbr.ind lr, $3  }
0x3a: {  	_ = 	snop  }
0x3b: {  	_ = 	snop  }
0x3c: {  	p2 =	seq.s32 s10, $0x1;
	s10 =	sld [smem:$0x3FBA]  }
0x3d: {  	_ =	shalt  }
0x3e: {  	_ =	shalt  }
0x3f: {  	_ =	shalt  }
0x40: {  	_ =	shalt  }
0x41: {  	_ =	shalt  }
0x42: {  	_ =	shalt  }
0x43: {  	_ =	shalt  }
0x44: {  	_ =	shalt  }
0x45: {  	_ =	shalt  }
0x46: {  	_ =	shalt  }
0x47: {  	_ =	shalt  }
0x48: {  	_ =	shalt  }
0x49: {  	_ =	shalt  }
0x4a: {  	_ =	shalt  }
0x4b: {  	_ =	shalt  }
0x4c: {  	_ =	shalt  }
0x4d: {  	_ =	shalt  }
0x4e: {  	_ =	shalt  }
0x4f: {  	_ =	shalt  }
0x50: {  	_ =	shalt  }
0x51: {  	_ =	shalt  }
0x52: {  	_ =	shalt  }
0x53: {  	_ =	shalt  }
0x54: {  	_ =	shalt  }
0x55: {  	_ =	shalt  }
0x56: {  	_ =	shalt  }
0x57: {  	_ =	shalt  }
0x58: {  	_ =	shalt  }
0x59: {  	_ =	shalt  }
0x5a: {  	_ =	shalt  }
0x5b: {  	_ =	shalt  }
0x5c: {  	_ =	shalt  }
0x5d: {  	_ =	shalt  }
0x5e: {  	_ =	shalt  }
0x5f: {  	_ =	shalt  }
0x60: {  	_ =	shalt  }
0x61: {  	_ =	shalt  }
0x62: {  	_ =	shalt  }
0x63: {  	_ =	shalt  }
0x64: {  	_ =	shalt  }
0x65: {  	_ =	shalt  }
0x66: {  	_ =	shalt  }
0x67: {  	_ =	shalt  }
0x68: {  	_ =	shalt  }
0x69: {  	_ =	shalt  }
0x6a: {  	_ =	shalt  }
0x6b: {  	_ =	shalt  }
0x6c: {  	_ =	shalt  }
0x6d: {  	_ =	shalt  }
0x6e: {  	_ =	shalt  }
0x6f: {  	_ =	shalt  }
0x70: {  	_ =	shalt  }
0x71: {  	_ =	shalt  }
0x72: {  	_ =	shalt  }
0x73: {  	_ =	shalt  }
0x74: {  	_ =	shalt  }
0x75: {  	_ =	shalt  }
0x76: {  	_ =	shalt  }
0x77: {  	_ =	shalt  }
0x78: {  	_ =	shalt  }
0x79: {  	_ =	shalt  }
0x7a: {  	_ =	shalt  }
0x7b: {  	_ =	shalt  }
0x7c: {  	_ =	shalt  }
0x7d: {  	_ =	shalt  }
0x7e: {  	_ =	shalt  }
0x7f: {  	_ =	shalt  }
0x80: {  	_ =	shalt  }
0x81: {  	_ =	shalt  }
0x82: {  	_ =	shalt  }
0x83: {  	_ =	shalt  }
0x84: {  	_ =	shalt  }
0x85: {  	_ =	shalt  }
0x86: {  	_ =	shalt  }
0x87: {  	_ =	shalt  }
.Lfunc_end0:
.L_simem_size_0:
called_computation_lowered:
.L_overlay_start_0:
0x88: {  	s2 =	sld [smem:$0x3FD9]  }
0x89: {  	s3 =	sld [smem:$0x3FFE];
	_ =	sdelay $0x1  }
0x8a: {  	s1 =	srdreg.scid  }
0x8b: {  	s0 =	sand.u32 $0x1, s1  }
0x8c: {  	s15 =	sshll.u32 s0, $0xA;
	s2 =	sadd.s32 s3, s2  }
0x8d: {  	s2 =	sadd.s32 s2, s15  }
0x8e: {  	[smem:$0x3FC6] =	sst s2  }
0x8f: {  	_ = 	snop  }
0x90: {  	s2 =	sld [smem:$0x3FD0];
	_ =	sdelay $0x1  }
0x91: {  	s16 =	sld [smem:$0x3FC9]  }
0x92: {  	s5 =	simm.s32 $0xA;
	s6 =	simm.s32 $0x10;
	s4 =	sld [smem:$0x3FC8]  }
0x93: {  	[smem:s6], [sflag:s5] =	dma.local [hbm:s2], $0x1  }
0x94: {  	_ =	swait.eq [sflag:s5], $0x1  }
0x95: {  	[sflag:s5] =	ssyncset.done $0x0  }
0x96: {  	s17 =	sld [smem:$0x10];
	[sflag:s5] =	ssyncadd.s32 $0xFFFFFFFF  }
0x97: {  	s18 =	sld [smem:$0x11];
	(tm) =	ssettm $0x1  }
0x98: {  	s19 =	sld [smem:$0x3FFB];
	_ =	sdelay $0x3  }
0x99: {  	_ =	strace s19  }
0x9a: {  	s6 =	sld [smem:$0x3FFC];
	_ =	sdelay $0x3  }
0x9b: {  	_ =	strace s6  }
0x9c: {  	s6 =	sld [smem:$0x3FFD];
	_ =	sdelay $0x3  }
0x9d: {  	_ =	strace s6  }
0x9e: {  	_ =	strace $0x8FFFFFFF  }
0x9f: {  	s20 =	sld [smem:$0x3FDB];
	_ =	sdelay $0x1  }
0xa0: {  	s7 =	simm.s32 $_scs_section_size  }
0xa1: {  	s8 =	simm.s32 $_size__tile_overlayer_lowered;
	s9 =	simm.s32 $_tile_overlayer_lowered  }
0xa2: {  	s23 =	simm.s32 $0x1BFF;
	s22 =	sshll.u32 s9, $0x1;
	s6 =	sadd.s32 s7, s20  }
0xa3: {  	s10 =	simm.s32 $0x0;
	s21 =	sshll.u32 s8, $0x1;
	s8 =	sadd.s32 s22, s6  }
0xa4: {  	[timem:s10], [sflag:s23] =	dma.local [hbm:s8], s21  }
0xa5: {  	_ =	swait.ge [sflag:s23], s21  }
0xa6: {  	s7 =	ssub.s32 $0x0, s21;
	[sflag:s23] =	ssyncset.done $0x0  }
0xa7: {  	[sflag:s23] =	ssyncadd.s32 s7;
	_ =	sdelay $0x1  }
0xa8: {  	s24 =	simm.s32 $0x1B8B  }
0xa9: {  	_ =	swait.ge [sflag:s24], $0x1  }
0xaa: {  	[sflag:s24] =	ssyncset.done $0x0  }
0xab: {  	s25 =	simm.s32 $0x1B8E;
	[sflag:s24] =	ssyncadd.s32 $0xFFFFFFFF  }
0xac: {  	s26 =	simm.s32 $execute0_lowered;
	[smem:$0x3FD2] =	sst s25  }
0xad: {  	s7 =	sshll.u32 s26, $0x1;
	_ =	strace $0x80000046;
	[dreg:$0x1] =	wrdreg $0xFFFFFFFF  }
0xae: {  	s28 =	simm.s32 $_size_execute0_lowered;
	s6 =	sadd.s32 s6, s7;
	[dreg:$0x0] =	wrdreg $0x0  }
0xaf: {  	s7 =	sshll.u32 s28, $0x1;
	[dreg:$0x2] =	wrdreg s6  }
0xb0: {  	[dreg:$0x3] =	wrdreg s7  }
0xb1: {  	[dreg:$0x4] =	wrdreg $0xC0  }
0xb2: {  	_ =	task [dreg:s10], $0x5FFFF  }
0xb3: {  	[dreg:$0x1] =	wrdreg $0xFFFFFFFF  }
0xb4: {  	[dreg:$0x0] =	wrdreg $0x60  }
0xb5: {  	[dreg:$0x2] =	wrdreg s16  }
0xb6: {  	[dreg:$0x3] =	wrdreg s4  }
0xb7: {  	[dreg:$0x4] =	wrdreg s17  }
0xb8: {  	[dreg:$0x5] =	wrdreg s18  }
0xb9: {  	[dreg:$0x6] =	wrdreg $0x9  }
0xba: {  	_ =	task.clear_ibuf [dreg:s10], $0x7FFFF;
	_ =	strace $0x90000046  }
0xbb: {  	s29 =	simm.s32 $0x9;
	_ =	strace $0x80000048  }
0xbc: {  	_ =	swait.ge [sflag:s29], $0x1  }
0xbd: {  	[sflag:s29] =	ssyncadd.s32 $0xFFFFFFFF  }
0xbe: {  	_ =	strace $0x90000048  }
0xbf: {  	_ =	sfence  }
0xc0: {  	s30 =	sld [smem:$0x0];
	_ =	sdelay $0x2  }
0xc1: {  	s31 =	sshll.u32 s1, $0xD;
	s1 =	sshrl.u32 s1, $0x2  }
0xc2: {  	s3 =	sand.u32 $0x4000, s31;
	s1 =	sadd.s32 s1, s30  }
0xc3: {  	s0 =	sor.u32 s3, s0;
	s1 =	sshll.u32 s1, $0x11  }
0xc4: {  	s0 =	sor.u32 s1, s0  }
0xc5: {  	s0 =	sadd.s32 $0x8F2B, s0  }
0xc6: {  	[sflag:s0] =	ssyncadd.remote.s32 $0x1  }
0xc7: {  	_ =	sfence.sel $0xFFFF  }
0xc8: {  	[dreg:$0x0] =	wrdreg $0xFFFFFFFF;
	(pc) =	sbr.abs _section_cstart, $3  }
0xc9: {  	[dreg:$0x1] =	wrdreg $0xFFFFFFFF  }
0xca: {  	_ =	task.clear_ibuf [dreg:s10], $0x2FFFF;
	_ =	strace $0x9FFFFFFF  }
0xcb: {  	(tm) =	ssettm $0x7FFFFFFF  }
tec
execute0_lowered:
.L_overlay_start_1:
0x0: {  	(tag) =	ssettag $0x1  }
0x1: {  	s1 =	rddreg [dreg:$0x0]  }
0x2: {  	s0 =	srdreg.scid;
	s13 =	rddreg [dreg:$0x1]  }
0x3: {  	s2 =	stileid.u32;
	s16 =	rddreg [dreg:$0x3];
	s6 =	simm.s32 $0x0  }
0x4: {  	s28 =	simm.s32 $0x1;
	s29 =	simm.s32 $0x6000;
	s5 =	sshrl.u32 s2, $0x2  }
0x5: {  	s30 =	simm.s32 $0xF000;
	s31 =	simm.s32 $0x16000;
	s7 =	smul.u32 $0xFFFFFF40, s5  }
0x6: {  	s0 =	sand.u32 $0x1, s0;
	s3 =	sshll.u32 s2, $0x1;
	s8 =	smul.u32 $0xD80000, s5  }
0x7: {  	[smem:$0x7FF] =	sst s6;
	s3 =	sor.u32 s0, s3;
	s18 =	smul.u32 $0x480000, s5  }
0x8: {  	s22 =	sadd.s32 $0x80, s1;
	s0 =	ssub.s32 $0x2, s0;
	s3 =	smul.u32 $0x18, s3  }
0x9: {  	_ =	strace $0x80000047;
	s11 =	sshrl.u32 s0, $0x1;
	s10 =	sor.u32 $0x9000, s8  }
0xa: {  	s0 =	ssub.s32 s0, s11;
	s26 =	sor.u32 $0x2000, s18;
	s17 =	sadd.s32 s3, s7  }
0xb: {  	s0 =	smax.u32 s0, $0x1;
	[dreg:$0xe] =	wrdreg s26;
	s3 =	smul.u32 $0x12000, s17  }
0xc: {  	s26 =	simm.s32 $0x14000;
	s12 =	smul.u32 $0x6000, s17;
	[dreg:$0xc] =	wrdreg s0  }
0xd: {  	[dreg:$0x5] =	wrdreg s17;
	s25 =	sor.u32 $0x1, s17;
	s0 =	simm.s32 $0x4  }
0xe: {  	[dreg:$0xd] =	wrdreg s25;
	s25 =	simm.s32 $0xC000;
	s19 =	sadd.s32 s8, s3  }
0xf: {  	s3 =	sadd.s32 s3, s10;
	s20 =	sadd.s32 s18, s12;
	s5 =	sshrl.u32 s19, $0x3  }
0x10: {  	s12 =	simm.s32 $0x5;
	s3 =	sshrl.u32 s3, $0x3;
	s4 =	sadd.s32 s1, s5  }
0x11: {  	s11 =	sshrl.u32 s20, $0x3;
	s21 =	sadd.s32 s1, s3;
	[dreg:$0x6] =	wrdreg s4  }
0x12: {  	s20 =	simm.s32 $0x400;
	s24 =	sadd.s32 s5, s22;
	[dreg:$0x7] =	wrdreg s21  }
.Ltmp0:
0x13: {  	s3 =	sadd.s32 s3, s22;
	[dreg:$0x9] =	wrdreg s24;
	(pc) =	sbr.rel .LBB2_1-.Ltmp0, $4  }
0x14: {  	s23 =	sadd.s32 s13, s11;
	s22 =	simm.s32 $0x9000;
	[dreg:$0xa] =	wrdreg s3  }
0x15: {  	s11 =	simm.s32 $0x3;
	s5 =	simm.s32 $0x0;
	[dreg:$0x8] =	wrdreg s23  }
0x16: {  	s1 =	sadd.s32 $0x400, s23;
	s21 =	simm.s32 $0xC00;
	s23 =	simm.s32 $0x12000  }
0x17: {  	v0 =	vlaneseq.u32;
	v1 =	vimm.f32 $0.0e+00;
	v2 =	vimm.f32 $3.000000000e+00;
	s24 =	simm.s32 $0x3000;
	s3 =	simm.s32 $0x2;
	[dreg:$0xb] =	wrdreg s1  }
.LBB2_10:
0x18: {  	s2 =	simm.s32 $0x6  }
0x19: {  	_ =	swait.ge [sflag:s2], $0x3000  }
0x1a: {  	[sflag:s2] =	ssyncset.done $0x0  }
0x1b: {  	[sflag:s2] =	ssyncadd.s32 $0xFFFFD000  }
0x1c: {  	_ =	swait.ge [sflag:s2], $0x3000  }
0x1d: {  	[sflag:s2] =	ssyncset.done $0x0  }
0x1e: {  	[sflag:s2] =	ssyncadd.s32 $0xFFFFD000  }
0x1f: {  	_ =	swait.ge [sflag:s2], $0x2000  }
0x20: {  	s5 =	rddreg [dreg:$0xf]  }
0x21: {  	s1 =	rddreg [dreg:$0xc];
	s5 =	sadd.s32 $0x1, s5  }
0x22: {  	p0 =	sne.s32 s5, s1  }
.Ltmp1:
0x23: {  	_ = 	snop;
	(pc) =	sbr.rel @!p0 .LBB2_11-.Ltmp1, $3  }
0x24: {  	_ =	sdelay $0x1  }
0x25: {  	[sflag:s2] =	ssyncset.done $0x0  }
0x26: {  	s8 =	smov.u32 s4;
	[sflag:s2] =	ssyncadd.s32 $0xFFFFE000  }
.LBB2_1:
0x27: {  	[dreg:$0xf] =	wrdreg s5  }
0x28: {  	s1 =	rddreg [dreg:$0x6]  }
0x29: {  	s14 =	rddreg [dreg:$0x7]  }
0x2a: {  	[tilespmem:s6], [sflag:$0x1] =	stream.strided.gather [hbm4b:s1+s20], $0x3000, s21, s20, $0x38;
	[tilespmem:$0x18000] =	vst v63  }
0x2b: {  	s15 =	rddreg [dreg:$0x8]  }
0x2c: {  	[tilespmem:s22], [sflag:$0x1] =	stream.strided.gather [hbm4b:s14+s20], $0x3000, s21, s20, $0x38;
	[tilespmem:$0x18000] =	vst v63  }
0x2d: {  	s17 =	rddreg [dreg:$0x9]  }
0x2e: {  	[tilespmem:s23], [sflag:$0x1] =	stream.linear.gather [hbm4b:s15+s6], $0x2000, $0x38;
	[tilespmem:$0x18000] =	vst v63  }
0x2f: {  	s19 =	rddreg [dreg:$0xa]  }
0x30: {  	[tilespmem:s24], [sflag:$0x2] =	stream.strided.gather [hbm4b:s17+s20], $0x3000, s21, s20, $0x38;
	[tilespmem:$0x18000] =	vst v63  }
0x31: {  	s5 =	rddreg [dreg:$0xb];
	s17 =	simm.s32 $0x0  }
0x32: {  	[tilespmem:s25], [sflag:$0x2] =	stream.strided.gather [hbm4b:s19+s20], $0x3000, s21, s20, $0x38;
	[tilespmem:$0x18000] =	vst v63  }
.LBB2_2:
0x33: {  	s13 =	simm.s32 $0x0  }
0x34: {  	[tilespmem:s26], [sflag:$0x2] =	stream.linear.gather [hbm4b:s5+s13], $0x2000, $0x38;
	[tilespmem:$0x18000] =	vst v63  }
0x35: {  	s14 =	simm.s32 $0x0;
	v3 =	vadd.s32 s13, v0;
	_ =	swait.ge [sflag:s28], $0x3000  }
0x36: {  	s5 =	sand.u32 $0x70, s14;
	s13 =	sand.u32 $0x30, s13;
	v3 =	vand.u32 $0xF, v3;
	[sflag:s28] =	ssyncset.done $0x0  }
0x37: {  	v4 =	vor.u32 s5, v0;
	v3 =	vor.u32 s13, v3;
	[sflag:s28] =	ssyncadd.s32 $0xFFFFD000  }
0x38: {  	v6 =	vshll.u32 v4, $0x7;
	v5 =	vshll.u32 v3, $0x1;
	_ =	swait.ge [sflag:s28], $0x3000  }
0x39: {  	v7 =	vor.u32 v6, v5;
	[sflag:s28] =	ssyncset.done $0x0  }
0x3a: {  	v6 =	vor.u32 $0x1, v7;
	[sflag:s28] =	ssyncadd.s32 $0xFFFFD000  }
0x3b: {  	_ =	swait.ge [sflag:s28], $0x2000  }
0x3c: {  	[sflag:s28] =	ssyncset.done $0x0  }
0x3d: {  	[sflag:s28] =	ssyncadd.s32 $0xFFFFE000  }
0x3e: {  	v9 =	vld.idx.msk [tilespmem:v7+s6+$0x0], $0xffff  }
0x3f: {  	v12 =	vld.idx.msk [tilespmem:v6+s6+$0x0], $0xffff  }
0x40: {  	v11 =	vld.idx.msk [tilespmem:v7+s22+$0x0], $0xffff  }
0x41: {  	v10 =	vld.idx.msk [tilespmem:v6+s22+$0x0], $0xffff  }
0x42: {  	s19 =	simm.s32 $0x0  }
0x43: {  	s15 =	simm.s32 $0x1;
	s13 =	sand.u32 $0x70, s19;
	v3 =	vshll.u32 v3, $0x7  }
0x44: {  	v13 =	vor.u32 s13, v0;
	v8 =	vor.u32 v4, v3;
	v4 =	vadd.s32 s15, v0  }
0x45: {  	v19 =	vshll.u32 v13, $0x7;
	v4 =	vand.u32 $0xF, v4;
	v3 =	vmax.f32 v9, v12  }
0x46: {  	s5 =	sand.u32 $0x30, s15;
	v14 =	vmin.f32 v9, v12;
	v5 =	vmax.f32 v11, v10;
	v15 =	vmin.f32 v11, v10  }
0x47: {  	v4 =	vor.u32 s5, v4;
	v17 =	vmin.f32 v3, v5;
	v18 =	vmax.f32 v14, v15  }
0x48: {  	v16 =	vshll.u32 v4, $0x1;
	v20 =	vmax.f32 v3, v5;
	v5 =	vmax.f32 v17, v18  }
0x49: {  	v4 =	vshll.u32 v4, $0x7;
	v21 =	vld.idx.msk [tilespmem:v8+s23+$0x0], $0xffff;
	v3 =	vor.u32 v19, v16;
	v16 =	vadd.f32 v5, v20  }
0x4a: {  	v4 =	vor.u32 v13, v4;
	vm0 =	vge.f32 v9, v11;
	v13 =	vmin.f32 v17, v18  }
0x4b: {  	vm1 =	vge.f32 v9, v10;
	vm2 =	vge.f32 v12, v10;
	v13 =	vadd.f32 v16, v13  }
0x4c: {  	vm3 =	vge.f32 v11, v10;
	vm4 =	vge.f32 v9, v12;
	v14 =	vmin.f32 v14, v15  }
0x4d: {  	vm15 =	vge.f32 v12, v11;
	v15 =	vsel vm1, $0x3F800000, v1;
	v14 =	vadd.f32 v13, v14  }
0x4e: {  	v17 =	vadd.f32 v20, v21;
	v5 =	vor.u32 $0x1, v3;
	v19 =	vadd.f32 v16, v21  }
0x4f: {  	v22 =	vsel vm4, $0x3F800000, v1;
	v13 =	vadd.f32 v13, v21;
	v20 =	vadd.f32 v14, v21  }
0x50: {  	v24 =	vsel vm15, $0x3F800000, v1;
	v17 =	vmul.f32 $5.000000000e-01, v17;
	v19 =	vmul.f32 $3.333333430e-01, v19  }
0x51: {  	v16 =	vsel vm2, $0x3F800000, v1;
	v21 =	vmul.f32 $2.500000000e-01, v13;
	v23 =	vmul.f32 $2.000000030e-01, v20  }
0x52: {  	s5 =	simm.s32 $0x2;
	v18 =	vsel vm0, $0x3F800000, v1;
	v14 =	vsel vm3, $0x3F800000, v1;
	v13 =	vld.idx.msk [tilespmem:v3+s6+$0x0], $0xffff;
	v20 =	vsub.f32 $1.000000000e+00, v16  }
.LBB2_3:
0x53: {  	p0 =	sne.s32 s5, $0x17F;
	v25 =	vld.idx.msk [tilespmem:v5+s6+$0x0], $0xffff;
	v26 =	vadd.f32 v18, v22;
	v27 =	vmax.f32 v17, v19;
	v23 =	vmax.f32 v21, v23  }
0x54: {  	v28 =	vsub.f32 $1.000000000e+00, v24;
	v18 =	vadd.f32 v24, v18;
	v23 =	vmax.f32 v27, v23  }
0x55: {  	v24 =	vadd.f32 v15, v26;
	v26 =	vsub.f32 $1.000000000e+00, v14;
	vm0 =	vge.f32 v21, v23  }
0x56: {  	v21 =	vadd.f32 v28, v22;
	vm1 =	vge.f32 v19, v23;
	v19 =	vsel vm0, $0x40000000, v2  }
0x57: {  	vm0 =	vge.f32 v17, v23;
	v22 =	vld.idx.msk [tilespmem:v3+s22+$0x0], $0xffff;
	v24 =	vsub.f32 $3.000000000e+00, v24;
	v17 =	vsel vm1, $0x3F800000, v19  }
0x58: {  	v15 =	vadd.f32 v16, v15;
	v20 =	vadd.f32 v20, v21;
	v19 =	vld.idx.msk [tilespmem:v5+s22+$0x0], $0xffff;
	v16 =	vsel vm0, $0x0, v17  }
0x59: {  	v18 =	vadd.f32 v26, v18;
	v17 =	vmax.f32 v13, v25;
	vm0 =	vle.f32 v24, v16  }
0x5a: {  	v14 =	vadd.f32 v15, v14;
	v15 =	vsel vm0, v23, v9;
	vm0 =	vle.f32 v20, v16;
	v9 =	vmovc v13  }
0x5b: {  	s13 =	sshrl.u32 s5, $0x2;
	v13 =	vadd.s32 s5, v0;
	v12 =	vsel vm0, v23, v12;
	vm0 =	vle.f32 v18, v16;
	[tilespmem:v7+s6+$0x0] =	vst.idx.msk $0xffff, v15  }
0x5c: {  	s13 =	sand.u32 $0x70, s13;
	v13 =	vand.u32 $0xF, v13;
	v11 =	vsel vm0, v23, v11;
	vm0 =	vle.f32 v14, v16;
	[tilespmem:v6+s6+$0x0] =	vst.idx.msk $0xffff, v12  }
0x5d: {  	s14 =	sand.u32 $0x30, s5;
	v15 =	vmin.f32 v9, v25;
	v14 =	vor.u32 s13, v0;
	v10 =	vsel vm0, v23, v10;
	[tilespmem:v7+s22+$0x0] =	vst.idx.msk $0xffff, v11  }
0x5e: {  	v7 =	vor.u32 s14, v13;
	v11 =	vmax.f32 v22, v19;
	v13 =	vmin.f32 v22, v19;
	[tilespmem:v6+s22+$0x0] =	vst.idx.msk $0xffff, v10  }
0x5f: {  	v6 =	vshll.u32 v7, $0x1;
	v16 =	vmin.f32 v17, v11;
	v18 =	vmax.f32 v15, v13;
	[tilespmem:v8+s23+$0x0] =	vst.idx.msk $0xffff, v23  }
0x60: {  	v17 =	vmax.f32 v17, v11;
	v12 =	vmovc v25;
	v8 =	vshll.u32 v14, $0x7;
	v23 =	vmax.f32 v16, v18;
	v20 =	vld.idx.msk [tilespmem:v4+s23+$0x0], $0xffff  }
0x61: {  	v24 =	vshll.u32 v7, $0x7;
	v25 =	vor.u32 v8, v6;
	v21 =	vadd.f32 v23, v17;
	v11 =	vmovc v22;
	v10 =	vmovc v19  }
0x62: {  	v14 =	vor.u32 v14, v24;
	v16 =	vmin.f32 v16, v18;
	v7 =	vmovc v3;
	v8 =	vor.u32 $0x1, v25;
	v3 =	vmovc v25  }
0x63: {  	vm0 =	vge.f32 v9, v11;
	vm1 =	vge.f32 v9, v10;
	v6 =	vmovc v5;
	v16 =	vadd.f32 v21, v16  }
0x64: {  	v13 =	vmin.f32 v15, v13;
	vm2 =	vge.f32 v12, v10;
	vm3 =	vge.f32 v11, v10;
	v5 =	vmovc v8  }
0x65: {  	vm4 =	vge.f32 v9, v12;
	v18 =	vsel vm0, $0x3F800000, v1;
	v13 =	vadd.f32 v16, v13;
	v8 =	vmovc v4;
	v4 =	vmovc v14  }
.Ltmp2:
0x66: {  	vm0 =	vge.f32 v12, v11;
	v14 =	vadd.f32 v17, v20;
	v19 =	vadd.f32 v21, v20;
	(pc) =	sbr.rel @p0 .LBB2_3-.Ltmp2, $4  }
0x67: {  	v15 =	vsel vm1, $0x3F800000, v1;
	v21 =	vadd.f32 v16, v20;
	v13 =	vadd.f32 v13, v20  }
0x68: {  	v16 =	vsel vm2, $0x3F800000, v1;
	v17 =	vmul.f32 $5.000000000e-01, v14;
	v19 =	vmul.f32 $3.333333430e-01, v19  }
0x69: {  	v14 =	vsel vm3, $0x3F800000, v1;
	v21 =	vmul.f32 $2.500000000e-01, v21;
	v23 =	vmul.f32 $2.000000030e-01, v13  }
0x6a: {  	s5 =	sadd.s32 $0x1, s5;
	v22 =	vsel vm4, $0x3F800000, v1;
	v24 =	vsel vm0, $0x3F800000, v1;
	v20 =	vsub.f32 $1.000000000e+00, v16;
	v13 =	vld.idx.msk [tilespmem:v3+s6+$0x0], $0xffff  }
0x6b: {  	_ =	sdelay $0x3  }
0x6c: {  	v25 =	vld.idx.msk [tilespmem:v5+s6+$0x0], $0xffff;
	v26 =	vadd.f32 v18, v22;
	v27 =	vmax.f32 v17, v19  }
0x6d: {  	v23 =	vmax.f32 v21, v23;
	v28 =	vsub.f32 $1.000000000e+00, v24;
	v18 =	vadd.f32 v24, v18;
	v24 =	vld.idx.msk [tilespmem:v3+s22+$0x0], $0xffff  }
0x6e: {  	v29 =	vld.idx.msk [tilespmem:v5+s22+$0x0], $0xffff;
	v23 =	vmax.f32 v27, v23;
	v27 =	vsub.f32 $1.000000000e+00, v14;
	v26 =	vadd.f32 v15, v26  }
0x6f: {  	vm0 =	vge.f32 v21, v23;
	v21 =	vadd.f32 v28, v22;
	vm1 =	vge.f32 v19, v23  }
0x70: {  	vm9 =	vge.f32 v17, v23;
	v15 =	vadd.f32 v16, v15;
	v19 =	vsel vm0, $0x40000000, v2  }
0x71: {  	v18 =	vadd.f32 v27, v18;
	v22 =	vsub.f32 $3.000000000e+00, v26;
	v17 =	vsel vm1, $0x3F800000, v19  }
0x72: {  	v19 =	vadd.f32 v20, v21;
	v16 =	vsel vm9, $0x0, v17;
	v17 =	vmax.f32 v13, v25  }
0x73: {  	v20 =	vmin.f32 v13, v25;
	v21 =	vmax.f32 v24, v29;
	v26 =	vmin.f32 v24, v29  }
0x74: {  	vm0 =	vle.f32 v22, v16;
	v22 =	vmin.f32 v17, v21;
	v27 =	vmax.f32 v20, v26  }
0x75: {  	v14 =	vadd.f32 v15, v14;
	v15 =	vmax.f32 v17, v21;
	v17 =	vmax.f32 v22, v27  }
0x76: {  	vm13 =	vge.f32 v13, v24;
	vm10 =	vle.f32 v19, v16;
	v19 =	vld.idx.msk [tilespmem:v4+s23+$0x0], $0xffff;
	v17 =	vadd.f32 v17, v15  }
0x77: {  	vm14 =	vge.f32 v13, v29;
	vm11 =	vle.f32 v18, v16;
	v18 =	vmin.f32 v22, v27  }
0x78: {  	vm2 =	vge.f32 v25, v29;
	vm12 =	vle.f32 v14, v16;
	v14 =	vadd.f32 v17, v18  }
0x79: {  	vm3 =	vge.f32 v24, v29;
	vm4 =	vge.f32 v13, v25;
	v16 =	vmin.f32 v20, v26  }
0x7a: {  	vm15 =	vge.f32 v25, v24;
	v20 =	vsel vm2, $0x3F800000, v1;
	v16 =	vadd.f32 v14, v16  }
0x7b: {  	v21 =	vsel vm4, $0x3F800000, v1;
	v15 =	vadd.f32 v15, v19;
	v17 =	vadd.f32 v17, v19  }
0x7c: {  	v63 =	vsel vm3, $0x3F800000, v1;
	v14 =	vadd.f32 v14, v19;
	v16 =	vadd.f32 v16, v19  }
0x7d: {  	v9 =	vsel vm0, v23, v9;
	v15 =	vmul.f32 $5.000000000e-01, v15;
	v17 =	vmul.f32 $3.333333430e-01, v17  }
0x7e: {  	v12 =	vsel vm10, v23, v12;
	v14 =	vmul.f32 $2.500000000e-01, v14;
	v16 =	vmul.f32 $2.000000030e-01, v16  }
0x7f: {  	v11 =	vsel vm11, v23, v11;
	v10 =	vsel vm12, v23, v10;
	v22 =	vsel vm15, $0x3F800000, v1  }
0x80: {  	v18 =	vsel vm13, $0x3F800000, v1;
	v26 =	vmax.f32 v15, v17;
	v16 =	vmax.f32 v14, v16  }
0x81: {  	v27 =	vsub.f32 $1.000000000e+00, v20;
	v16 =	vmax.f32 v26, v16;
	v26 =	vadd.f32 v18, v21  }
0x82: {  	[tilespmem:v7+s6+$0x0] =	vst.idx.msk $0xffff, v9;
	v19 =	vsel vm14, $0x3F800000, v1;
	v18 =	vadd.f32 v22, v18;
	v22 =	vsub.f32 $1.000000000e+00, v22  }
0x83: {  	[tilespmem:v6+s6+$0x0] =	vst.idx.msk $0xffff, v12;
	vm4 =	vge.f32 v14, v16;
	v14 =	vsub.f32 $1.000000000e+00, v63;
	v9 =	vadd.f32 v19, v26  }
0x84: {  	[tilespmem:v7+s22+$0x0] =	vst.idx.msk $0xffff, v11;
	vm5 =	vge.f32 v17, v16;
	v12 =	vadd.f32 v22, v21;
	v17 =	vsel vm4, $0x40000000, v2  }
0x85: {  	[tilespmem:v6+s22+$0x0] =	vst.idx.msk $0xffff, v10;
	vm6 =	vge.f32 v15, v16;
	v7 =	vsub.f32 $3.000000000e+00, v9;
	v9 =	vsel vm5, $0x3F800000, v17  }
0x86: {  	[tilespmem:v8+s23+$0x0] =	vst.idx.msk $0xffff, v23;
	v10 =	vadd.f32 v20, v19;
	v6 =	vadd.f32 v27, v12;
	v9 =	vsel vm6, $0x0, v9  }
0x87: {  	s2 =	rddreg [dreg:$0x5];
	v8 =	vadd.f32 v14, v18;
	vm0 =	vle.f32 v7, v9  }
0x88: {  	s5 =	sadd.s32 s17, s2;
	v7 =	vadd.f32 v10, v63;
	vm7 =	vle.f32 v6, v9;
	v10 =	vsel vm0, v16, v13  }
0x89: {  	s13 =	smul.u32 $0x12000, s5;
	vm8 =	vle.f32 v8, v9;
	v6 =	vsel vm7, v16, v25;
	[tilespmem:v3+s6+$0x0] =	vst.idx.msk $0xffff, v10  }
0x8a: {  	v8 =	vsel vm8, v16, v24;
	vm9 =	vle.f32 v7, v9;
	[tilespmem:v5+s6+$0x0] =	vst.idx.msk $0xffff, v6  }
0x8b: {  	s5 =	smul.u32 $0x6000, s5;
	s14 =	sadd.s32 s8, s13;
	v6 =	vsel vm9, v16, v29;
	[tilespmem:v3+s22+$0x0] =	vst.idx.msk $0xffff, v8  }
0x8c: {  	s1 =	rddreg [dreg:$0x2];
	s13 =	sadd.s32 s13, s10;
	s15 =	sshrl.u32 s14, $0x3;
	[tilespmem:v5+s22+$0x0] =	vst.idx.msk $0xffff, v6  }
0x8d: {  	s5 =	sadd.s32 s18, s5;
	s19 =	sshrl.u32 s13, $0x3;
	s14 =	sadd.s32 s1, s15;
	[tilespmem:v4+s23+$0x0] =	vst.idx.msk $0xffff, v16  }
0x8e: {  	[hbm4b:s14+s20] =	stream.strided.scatter [tilespmem:s6], [sflag:$0x4], $0x3000, s21, s20, $0x38;
	[tilespmem:$0x18000] =	vst v63  }
0x8f: {  	p0 =	seq.s32 s17, $0x0;
	s13 =	sadd.s32 s1, s19;
	s14 =	sshrl.u32 s5, $0x3  }
0x90: {  	[hbm4b:s13+s20] =	stream.strided.scatter [tilespmem:s22], [sflag:$0x4], $0x3000, s21, s20, $0x38;
	[tilespmem:$0x18000] =	vst v63  }
0x91: {  	s5 =	sadd.s32 s16, s14;
	s13 =	simm.s32 @!p0 $0x6  }
0x92: {  	[hbm4b:s5+s6] =	stream.linear.scatter [tilespmem:s23], [sflag:$0x4], $0x2000, $0x38;
	[tilespmem:$0x18000] =	vst v63  }
0x93: {  	_ =	swait.ge @!p0 [sflag:s13], $0x3000  }
0x94: {  	[sflag:s13] =	ssyncset.done @!p0 $0x0  }
0x95: {  	[sflag:s13] =	ssyncadd.s32 @!p0 $0xFFFFD000  }
0x96: {  	_ =	swait.ge @!p0 [sflag:s13], $0x3000  }
0x97: {  	[sflag:s13] =	ssyncset.done @!p0 $0x0  }
0x98: {  	[sflag:s13] =	ssyncadd.s32 @!p0 $0xFFFFD000  }
0x99: {  	_ =	swait.ge @!p0 [sflag:s13], $0x2000  }
0x9a: {  	[sflag:s13] =	ssyncset.done @!p0 $0x0  }
0x9b: {  	s9 =	smov.u32 s16;
	[sflag:s13] =	ssyncadd.s32 @!p0 $0xFFFFE000  }
0x9c: {  	s1 =	smov.u32 s18;
	s16 =	sor.u32 $0x100, s15;
	s18 =	rddreg [dreg:$0x0]  }
0x9d: {  	s13 =	sor.u32 $0x100, s19;
	s4 =	sadd.s32 s18, s16  }
0x9e: {  	[tilespmem:s29], [sflag:$0x3] =	stream.strided.gather [hbm4b:s4+s20], $0x3000, s21, s20, $0x38;
	[tilespmem:$0x18000] =	vst v63  }
0x9f: {  	s14 =	sadd.s32 $0x800, s14;
	s7 =	sadd.s32 s18, s13;
	s18 =	rddreg [dreg:$0x1]  }
0xa0: {  	[tilespmem:s30], [sflag:$0x3] =	stream.strided.gather [hbm4b:s7+s20], $0x3000, s21, s20, $0x38;
	[tilespmem:$0x18000] =	vst v63  }
0xa1: {  	s2 =	sadd.s32 s18, s14;
	s4 =	simm.s32 $0x0  }
0xa2: {  	[tilespmem:s31], [sflag:$0x3] =	stream.linear.gather [hbm4b:s2+s4], $0x2000, $0x38;
	[tilespmem:$0x18000] =	vst v63  }
0xa3: {  	v3 =	vadd.s32 s4, v0;
	s7 =	simm.s32 $0x0;
	_ =	swait.ge [sflag:s3], $0x3000  }
0xa4: {  	v3 =	vand.u32 $0xF, v3;
	s18 =	sand.u32 $0x70, s7;
	s2 =	sand.u32 $0x30, s4;
	[sflag:s3] =	ssyncset.done $0x0  }
0xa5: {  	v4 =	vor.u32 s18, v0;
	v3 =	vor.u32 s2, v3;
	[sflag:s3] =	ssyncadd.s32 $0xFFFFD000  }
0xa6: {  	v6 =	vshll.u32 v4, $0x7;
	v5 =	vshll.u32 v3, $0x1;
	_ =	swait.ge [sflag:s3], $0x3000  }
0xa7: {  	v7 =	vor.u32 v6, v5;
	[sflag:s3] =	ssyncset.done $0x0  }
0xa8: {  	v6 =	vor.u32 $0x1, v7;
	[sflag:s3] =	ssyncadd.s32 $0xFFFFD000  }
0xa9: {  	_ =	swait.ge [sflag:s3], $0x2000  }
0xaa: {  	[sflag:s3] =	ssyncset.done $0x0  }
0xab: {  	[sflag:s3] =	ssyncadd.s32 $0xFFFFE000  }
0xac: {  	v9 =	vld.idx.msk [tilespmem:v7+s24+$0x0], $0xffff  }
0xad: {  	v12 =	vld.idx.msk [tilespmem:v6+s24+$0x0], $0xffff  }
0xae: {  	v11 =	vld.idx.msk [tilespmem:v7+s25+$0x0], $0xffff  }
0xaf: {  	v10 =	vld.idx.msk [tilespmem:v6+s25+$0x0], $0xffff  }
0xb0: {  	s7 =	simm.s32 $0x1;
	v3 =	vshll.u32 v3, $0x7  }
0xb1: {  	s4 =	simm.s32 $0x0;
	v8 =	vor.u32 v4, v3;
	v3 =	vadd.s32 s7, v0  }
0xb2: {  	s18 =	sand.u32 $0x30, s7;
	s2 =	sand.u32 $0x70, s4;
	v3 =	vand.u32 $0xF, v3  }
0xb3: {  	v13 =	vor.u32 s2, v0;
	v5 =	vor.u32 s18, v3;
	v4 =	vmax.f32 v9, v12  }
0xb4: {  	v14 =	vmin.f32 v9, v12;
	v3 =	vmax.f32 v11, v10;
	v15 =	vmin.f32 v11, v10  }
0xb5: {  	v19 =	vshll.u32 v13, $0x7;
	v17 =	vmin.f32 v4, v3;
	v18 =	vmax.f32 v14, v15  }
0xb6: {  	v16 =	vshll.u32 v5, $0x1;
	v20 =	vmax.f32 v4, v3;
	v4 =	vmax.f32 v17, v18  }
0xb7: {  	v21 =	vld.idx.msk [tilespmem:v8+s26+$0x0], $0xffff;
	v3 =	vor.u32 v19, v16;
	v16 =	vshll.u32 v5, $0x7;
	v19 =	vadd.f32 v4, v20  }
0xb8: {  	vm10 =	vge.f32 v9, v11;
	v4 =	vor.u32 v13, v16;
	v13 =	vmin.f32 v17, v18  }
0xb9: {  	vm11 =	vge.f32 v9, v10;
	vm12 =	vge.f32 v12, v10;
	v13 =	vadd.f32 v19, v13  }
0xba: {  	vm13 =	vge.f32 v11, v10;
	vm14 =	vge.f32 v9, v12;
	v14 =	vmin.f32 v14, v15  }
0xbb: {  	vm15 =	vge.f32 v12, v11;
	v15 =	vsel vm11, $0x3F800000, v1;
	v14 =	vadd.f32 v13, v14  }
0xbc: {  	v5 =	vor.u32 $0x1, v3;
	v17 =	vadd.f32 v20, v21;
	v19 =	vadd.f32 v19, v21  }
0xbd: {  	v22 =	vsel vm14, $0x3F800000, v1;
	v13 =	vadd.f32 v13, v21;
	v20 =	vadd.f32 v14, v21  }
0xbe: {  	v24 =	vsel vm15, $0x3F800000, v1;
	v17 =	vmul.f32 $5.000000000e-01, v17;
	v19 =	vmul.f32 $3.333333430e-01, v19  }
0xbf: {  	v16 =	vsel vm12, $0x3F800000, v1;
	v21 =	vmul.f32 $2.500000000e-01, v13;
	v23 =	vmul.f32 $2.000000030e-01, v20  }
0xc0: {  	s18 =	simm.s32 $0x2;
	v18 =	vsel vm10, $0x3F800000, v1;
	v14 =	vsel vm13, $0x3F800000, v1;
	v13 =	vld.idx.msk [tilespmem:v3+s24+$0x0], $0xffff;
	v20 =	vsub.f32 $1.000000000e+00, v16  }
.LBB2_5:
0xc1: {  	p0 =	sne.s32 s18, $0x17F;
	v25 =	vld.idx.msk [tilespmem:v5+s24+$0x0], $0xffff;
	v26 =	vadd.f32 v18, v22;
	v27 =	vmax.f32 v17, v19;
	v23 =	vmax.f32 v21, v23  }
0xc2: {  	v28 =	vsub.f32 $1.000000000e+00, v24;
	v18 =	vadd.f32 v24, v18;
	v23 =	vmax.f32 v27, v23  }
0xc3: {  	v24 =	vadd.f32 v15, v26;
	v26 =	vsub.f32 $1.000000000e+00, v14;
	vm0 =	vge.f32 v21, v23  }
0xc4: {  	v21 =	vadd.f32 v28, v22;
	vm1 =	vge.f32 v19, v23;
	v19 =	vsel vm0, $0x40000000, v2  }
0xc5: {  	vm0 =	vge.f32 v17, v23;
	v22 =	vld.idx.msk [tilespmem:v3+s25+$0x0], $0xffff;
	v24 =	vsub.f32 $3.000000000e+00, v24;
	v17 =	vsel vm1, $0x3F800000, v19  }
0xc6: {  	v15 =	vadd.f32 v16, v15;
	v20 =	vadd.f32 v20, v21;
	v19 =	vld.idx.msk [tilespmem:v5+s25+$0x0], $0xffff;
	v16 =	vsel vm0, $0x0, v17  }
0xc7: {  	v18 =	vadd.f32 v26, v18;
	v17 =	vmax.f32 v13, v25;
	vm0 =	vle.f32 v24, v16  }
0xc8: {  	v14 =	vadd.f32 v15, v14;
	v15 =	vsel vm0, v23, v9;
	vm0 =	vle.f32 v20, v16;
	v9 =	vmovc v13  }
0xc9: {  	s2 =	sshrl.u32 s18, $0x2;
	v13 =	vadd.s32 s18, v0;
	v12 =	vsel vm0, v23, v12;
	vm0 =	vle.f32 v18, v16;
	[tilespmem:v7+s24+$0x0] =	vst.idx.msk $0xffff, v15  }
0xca: {  	s2 =	sand.u32 $0x70, s2;
	v13 =	vand.u32 $0xF, v13;
	v11 =	vsel vm0, v23, v11;
	vm0 =	vle.f32 v14, v16;
	[tilespmem:v6+s24+$0x0] =	vst.idx.msk $0xffff, v12  }
0xcb: {  	s7 =	sand.u32 $0x30, s18;
	v15 =	vmin.f32 v9, v25;
	v14 =	vor.u32 s2, v0;
	v10 =	vsel vm0, v23, v10;
	[tilespmem:v7+s25+$0x0] =	vst.idx.msk $0xffff, v11  }
0xcc: {  	v7 =	vor.u32 s7, v13;
	v11 =	vmax.f32 v22, v19;
	v13 =	vmin.f32 v22, v19;
	[tilespmem:v6+s25+$0x0] =	vst.idx.msk $0xffff, v10  }
0xcd: {  	v6 =	vshll.u32 v7, $0x1;
	v16 =	vmin.f32 v17, v11;
	v18 =	vmax.f32 v15, v13;
	[tilespmem:v8+s26+$0x0] =	vst.idx.msk $0xffff, v23  }
0xce: {  	v17 =	vmax.f32 v17, v11;
	v12 =	vmovc v25;
	v8 =	vshll.u32 v14, $0x7;
	v23 =	vmax.f32 v16, v18;
	v20 =	vld.idx.msk [tilespmem:v4+s26+$0x0], $0xffff  }
0xcf: {  	v24 =	vshll.u32 v7, $0x7;
	v25 =	vor.u32 v8, v6;
	v21 =	vadd.f32 v23, v17;
	v11 =	vmovc v22;
	v10 =	vmovc v19  }
0xd0: {  	v14 =	vor.u32 v14, v24;
	v16 =	vmin.f32 v16, v18;
	v7 =	vmovc v3;
	v8 =	vor.u32 $0x1, v25;
	v3 =	vmovc v25  }
0xd1: {  	vm0 =	vge.f32 v9, v11;
	vm1 =	vge.f32 v9, v10;
	v6 =	vmovc v5;
	v16 =	vadd.f32 v21, v16  }
0xd2: {  	v13 =	vmin.f32 v15, v13;
	vm2 =	vge.f32 v12, v10;
	vm3 =	vge.f32 v11, v10;
	v5 =	vmovc v8  }
0xd3: {  	vm4 =	vge.f32 v9, v12;
	v18 =	vsel vm0, $0x3F800000, v1;
	v13 =	vadd.f32 v16, v13;
	v8 =	vmovc v4;
	v4 =	vmovc v14  }
.Ltmp3:
0xd4: {  	vm0 =	vge.f32 v12, v11;
	v14 =	vadd.f32 v17, v20;
	v19 =	vadd.f32 v21, v20;
	(pc) =	sbr.rel @p0 .LBB2_5-.Ltmp3, $4  }
0xd5: {  	v15 =	vsel vm1, $0x3F800000, v1;
	v21 =	vadd.f32 v16, v20;
	v13 =	vadd.f32 v13, v20  }
0xd6: {  	v16 =	vsel vm2, $0x3F800000, v1;
	v17 =	vmul.f32 $5.000000000e-01, v14;
	v19 =	vmul.f32 $3.333333430e-01, v19  }
0xd7: {  	v14 =	vsel vm3, $0x3F800000, v1;
	v21 =	vmul.f32 $2.500000000e-01, v21;
	v23 =	vmul.f32 $2.000000030e-01, v13  }
0xd8: {  	s18 =	sadd.s32 $0x1, s18;
	v22 =	vsel vm4, $0x3F800000, v1;
	v24 =	vsel vm0, $0x3F800000, v1;
	v20 =	vsub.f32 $1.000000000e+00, v16;
	v13 =	vld.idx.msk [tilespmem:v3+s24+$0x0], $0xffff  }
0xd9: {  	_ =	sdelay $0x3  }
0xda: {  	v25 =	vld.idx.msk [tilespmem:v5+s24+$0x0], $0xffff;
	v26 =	vadd.f32 v18, v22;
	v27 =	vmax.f32 v17, v19  }
0xdb: {  	v23 =	vmax.f32 v21, v23;
	v28 =	vsub.f32 $1.000000000e+00, v24;
	v18 =	vadd.f32 v24, v18;
	v24 =	vld.idx.msk [tilespmem:v3+s25+$0x0], $0xffff  }
0xdc: {  	v29 =	vld.idx.msk [tilespmem:v5+s25+$0x0], $0xffff;
	v23 =	vmax.f32 v27, v23;
	v27 =	vsub.f32 $1.000000000e+00, v14;
	v26 =	vadd.f32 v15, v26  }
0xdd: {  	vm0 =	vge.f32 v21, v23;
	v21 =	vadd.f32 v28, v22;
	vm1 =	vge.f32 v19, v23  }
0xde: {  	vm9 =	vge.f32 v17, v23;
	v15 =	vadd.f32 v16, v15;
	v19 =	vsel vm0, $0x40000000, v2  }
0xdf: {  	v18 =	vadd.f32 v27, v18;
	v22 =	vsub.f32 $3.000000000e+00, v26;
	v17 =	vsel vm1, $0x3F800000, v19  }
0xe0: {  	v19 =	vadd.f32 v20, v21;
	v16 =	vsel vm9, $0x0, v17;
	v17 =	vmax.f32 v13, v25  }
0xe1: {  	v20 =	vmin.f32 v13, v25;
	v21 =	vmax.f32 v24, v29;
	v26 =	vmin.f32 v24, v29  }
0xe2: {  	vm0 =	vle.f32 v22, v16;
	v22 =	vmin.f32 v17, v21;
	v27 =	vmax.f32 v20, v26  }
0xe3: {  	v14 =	vadd.f32 v15, v14;
	v15 =	vmax.f32 v17, v21;
	v17 =	vmax.f32 v22, v27  }
0xe4: {  	vm13 =	vge.f32 v13, v24;
	vm10 =	vle.f32 v19, v16;
	v19 =	vld.idx.msk [tilespmem:v4+s26+$0x0], $0xffff;
	v17 =	vadd.f32 v17, v15  }
0xe5: {  	vm14 =	vge.f32 v13, v29;
	vm11 =	vle.f32 v18, v16;
	v18 =	vmin.f32 v22, v27  }
0xe6: {  	vm2 =	vge.f32 v25, v29;
	vm12 =	vle.f32 v14, v16;
	v14 =	vadd.f32 v17, v18  }
0xe7: {  	vm3 =	vge.f32 v24, v29;
	vm4 =	vge.f32 v13, v25;
	v16 =	vmin.f32 v20, v26  }
0xe8: {  	vm15 =	vge.f32 v25, v24;
	v20 =	vsel vm2, $0x3F800000, v1;
	v16 =	vadd.f32 v14, v16  }
0xe9: {  	v21 =	vsel vm4, $0x3F800000, v1;
	v15 =	vadd.f32 v15, v19;
	v17 =	vadd.f32 v17, v19  }
0xea: {  	v63 =	vsel vm3, $0x3F800000, v1;
	v14 =	vadd.f32 v14, v19;
	v16 =	vadd.f32 v16, v19  }
0xeb: {  	v9 =	vsel vm0, v23, v9;
	v15 =	vmul.f32 $5.000000000e-01, v15;
	v17 =	vmul.f32 $3.333333430e-01, v17  }
0xec: {  	v12 =	vsel vm10, v23, v12;
	v14 =	vmul.f32 $2.500000000e-01, v14;
	v16 =	vmul.f32 $2.000000030e-01, v16  }
0xed: {  	v11 =	vsel vm11, v23, v11;
	v10 =	vsel vm12, v23, v10;
	v22 =	vsel vm15, $0x3F800000, v1  }
0xee: {  	v18 =	vsel vm13, $0x3F800000, v1;
	v26 =	vmax.f32 v15, v17;
	v16 =	vmax.f32 v14, v16  }
0xef: {  	v27 =	vsub.f32 $1.000000000e+00, v20;
	v16 =	vmax.f32 v26, v16;
	v26 =	vadd.f32 v18, v21  }
0xf0: {  	v19 =	vsel vm14, $0x3F800000, v1;
	v18 =	vadd.f32 v22, v18;
	v22 =	vsub.f32 $1.000000000e+00, v22  }
0xf1: {  	[tilespmem:v7+s24+$0x0] =	vst.idx.msk $0xffff, v9;
	vm4 =	vge.f32 v14, v16;
	v14 =	vsub.f32 $1.000000000e+00, v63;
	v9 =	vadd.f32 v19, v26  }
0xf2: {  	[tilespmem:v6+s24+$0x0] =	vst.idx.msk $0xffff, v12;
	vm5 =	vge.f32 v17, v16;
	v12 =	vadd.f32 v22, v21;
	v17 =	vsel vm4, $0x40000000, v2  }
0xf3: {  	[tilespmem:v7+s25+$0x0] =	vst.idx.msk $0xffff, v11;
	vm6 =	vge.f32 v15, v16;
	v7 =	vsub.f32 $3.000000000e+00, v9;
	v9 =	vsel vm5, $0x3F800000, v17  }
0xf4: {  	[tilespmem:v6+s25+$0x0] =	vst.idx.msk $0xffff, v10;
	v10 =	vadd.f32 v20, v19;
	v6 =	vadd.f32 v27, v12;
	v9 =	vsel vm6, $0x0, v9  }
0xf5: {  	[tilespmem:v8+s26+$0x0] =	vst.idx.msk $0xffff, v23;
	v8 =	vadd.f32 v14, v18;
	vm0 =	vle.f32 v7, v9  }
0xf6: {  	v7 =	vadd.f32 v10, v63;
	vm7 =	vle.f32 v6, v9;
	v10 =	vsel vm0, v16, v13  }
0xf7: {  	vm8 =	vle.f32 v8, v9;
	v6 =	vsel vm7, v16, v25;
	[tilespmem:v3+s24+$0x0] =	vst.idx.msk $0xffff, v10  }
0xf8: {  	v8 =	vsel vm8, v16, v24;
	vm9 =	vle.f32 v7, v9;
	[tilespmem:v5+s24+$0x0] =	vst.idx.msk $0xffff, v6  }
0xf9: {  	s4 =	rddreg [dreg:$0x2];
	v6 =	vsel vm9, v16, v29;
	[tilespmem:v3+s25+$0x0] =	vst.idx.msk $0xffff, v8  }
0xfa: {  	s2 =	sadd.s32 s15, s4;
	[tilespmem:v5+s25+$0x0] =	vst.idx.msk $0xffff, v6  }
0xfb: {  	s4 =	sadd.s32 s19, s4;
	s2 =	sadd.s32 $0x80, s2;
	[tilespmem:v4+s26+$0x0] =	vst.idx.msk $0xffff, v16  }
0xfc: {  	[hbm4b:s2+s20] =	stream.strided.scatter [tilespmem:s24], [sflag:$0x5], $0x3000, s21, s20, $0x38;
	[tilespmem:$0x18000] =	vst v63  }
0xfd: {  	s2 =	sadd.s32 $0x80, s4  }
0xfe: {  	[hbm4b:s2+s20] =	stream.strided.scatter [tilespmem:s25], [sflag:$0x5], $0x3000, s21, s20, $0x38;
	[tilespmem:$0x18000] =	vst v63  }
0xff: {  	s5 =	sadd.s32 $0x400, s5  }
0x100: {  	[hbm4b:s5+s6] =	stream.linear.scatter [tilespmem:s26], [sflag:$0x5], $0x2000, $0x38;
	[tilespmem:$0x18000] =	vst v63  }
0x101: {  	_ =	swait.ge [sflag:s0], $0x3000  }
0x102: {  	[sflag:s0] =	ssyncset.done $0x0  }
0x103: {  	[sflag:s0] =	ssyncadd.s32 $0xFFFFD000  }
0x104: {  	_ =	swait.ge [sflag:s0], $0x3000  }
0x105: {  	p0 =	seq.s32 s17, $0x17;
	s2 =	rddreg [dreg:$0xd];
	[sflag:s0] =	ssyncset.done $0x0  }
0x106: {  	s2 =	sadd.s32 @!p0 s2, s17;
	[sflag:s0] =	ssyncadd.s32 $0xFFFFD000  }
0x107: {  	s15 =	simm.s32 @!p0 $0x400;
	s5 =	smul.u32 @!p0 $0x12000, s2;
	_ =	swait.ge [sflag:s0], $0x2000  }
0x108: {  	s18 =	simm.s32 @!p0 $0xC00;
	s19 =	simm.s32 @!p0 $0x0;
	[sflag:s0] =	ssyncset.done $0x0  }
0x109: {  	s4 =	smov.u32 s8;
	s7 =	sadd.s32 @!p0 s8, s5;
	[sflag:s0] =	ssyncadd.s32 $0xFFFFE000  }
0x10a: {  	s5 =	sadd.s32 @!p0 s5, s10;
	s7 =	sshrl.u32 @!p0 s7, $0x3;
	s8 =	rddreg [dreg:$0x0]  }
0x10b: {  	s2 =	smul.u32 @!p0 $0x6000, s2;
	s5 =	sshrl.u32 @!p0 s5, $0x3;
	s7 =	sadd.s32 @!p0 s8, s7  }
0x10c: {  	[tilespmem:s19], [sflag:$0x1] =	stream.strided.gather @!p0 [hbm4b:s7+s15], $0x3000, s18, s15, $0x38;
	[tilespmem:$0x18000] =	vst v63  }
0x10d: {  	s2 =	sadd.s32 @!p0 s1, s2;
	s5 =	sadd.s32 @!p0 s8, s5;
	s7 =	simm.s32 @!p0 $0x9000  }
0x10e: {  	[tilespmem:s7], [sflag:$0x1] =	stream.strided.gather @!p0 [hbm4b:s5+s15], $0x3000, s18, s15, $0x38;
	[tilespmem:$0x18000] =	vst v63  }
0x10f: {  	s2 =	sshrl.u32 @!p0 s2, $0x3;
	s5 =	rddreg [dreg:$0x1]  }
0x110: {  	s7 =	simm.s32 $0x0;
	s2 =	sadd.s32 @!p0 s5, s2;
	s5 =	simm.s32 @!p0 $0x12000  }
0x111: {  	[tilespmem:s5], [sflag:$0x1] =	stream.linear.gather @!p0 [hbm4b:s2+s19], $0x2000, $0x38;
	[tilespmem:$0x18000] =	vst v63  }
0x112: {  	s8 =	simm.s32 $0x0;
	v3 =	vadd.s32 s7, v0;
	_ =	swait.ge [sflag:s11], $0x3000  }
0x113: {  	s5 =	sand.u32 $0x70, s8;
	v3 =	vand.u32 $0xF, v3;
	s2 =	sand.u32 $0x30, s7;
	[sflag:s11] =	ssyncset.done $0x0  }
0x114: {  	v4 =	vor.u32 s5, v0;
	v3 =	vor.u32 s2, v3;
	[sflag:s11] =	ssyncadd.s32 $0xFFFFD000  }
0x115: {  	v5 =	vshll.u32 v3, $0x1;
	v6 =	vshll.u32 v4, $0x7;
	_ =	swait.ge [sflag:s11], $0x3000  }
0x116: {  	v7 =	vor.u32 v6, v5;
	[sflag:s11] =	ssyncset.done $0x0  }
0x117: {  	v6 =	vor.u32 $0x1, v7;
	[sflag:s11] =	ssyncadd.s32 $0xFFFFD000  }
0x118: {  	_ =	swait.ge [sflag:s11], $0x2000  }
0x119: {  	[sflag:s11] =	ssyncset.done $0x0  }
0x11a: {  	[sflag:s11] =	ssyncadd.s32 $0xFFFFE000  }
0x11b: {  	v9 =	vld.idx.msk [tilespmem:v7+s29+$0x0], $0xffff  }
0x11c: {  	v12 =	vld.idx.msk [tilespmem:v6+s29+$0x0], $0xffff  }
0x11d: {  	v11 =	vld.idx.msk [tilespmem:v7+s30+$0x0], $0xffff  }
0x11e: {  	v10 =	vld.idx.msk [tilespmem:v6+s30+$0x0], $0xffff  }
0x11f: {  	s19 =	simm.s32 $0x0  }
0x120: {  	s15 =	simm.s32 $0x1;
	s5 =	sand.u32 $0x70, s19;
	v3 =	vshll.u32 v3, $0x7  }
0x121: {  	v13 =	vor.u32 s5, v0;
	v8 =	vor.u32 v4, v3;
	v4 =	vadd.s32 s15, v0  }
0x122: {  	v19 =	vshll.u32 v13, $0x7;
	v4 =	vand.u32 $0xF, v4;
	v3 =	vmax.f32 v9, v12  }
0x123: {  	s2 =	sand.u32 $0x30, s15;
	v14 =	vmin.f32 v9, v12;
	v5 =	vmax.f32 v11, v10;
	v15 =	vmin.f32 v11, v10  }
0x124: {  	v4 =	vor.u32 s2, v4;
	v17 =	vmin.f32 v3, v5;
	v18 =	vmax.f32 v14, v15  }
0x125: {  	v16 =	vshll.u32 v4, $0x1;
	v20 =	vmax.f32 v3, v5;
	v5 =	vmax.f32 v17, v18  }
0x126: {  	v4 =	vshll.u32 v4, $0x7;
	v21 =	vld.idx.msk [tilespmem:v8+s31+$0x0], $0xffff;
	v3 =	vor.u32 v19, v16;
	v16 =	vadd.f32 v5, v20  }
0x127: {  	v4 =	vor.u32 v13, v4;
	vm10 =	vge.f32 v9, v11;
	v13 =	vmin.f32 v17, v18  }
0x128: {  	vm11 =	vge.f32 v9, v10;
	vm12 =	vge.f32 v12, v10;
	v13 =	vadd.f32 v16, v13  }
0x129: {  	vm13 =	vge.f32 v11, v10;
	vm14 =	vge.f32 v9, v12;
	v14 =	vmin.f32 v14, v15  }
0x12a: {  	vm15 =	vge.f32 v12, v11;
	v15 =	vsel vm11, $0x3F800000, v1;
	v14 =	vadd.f32 v13, v14  }
0x12b: {  	v17 =	vadd.f32 v20, v21;
	v5 =	vor.u32 $0x1, v3;
	v19 =	vadd.f32 v16, v21  }
0x12c: {  	v22 =	vsel vm14, $0x3F800000, v1;
	v13 =	vadd.f32 v13, v21;
	v20 =	vadd.f32 v14, v21  }
0x12d: {  	v24 =	vsel vm15, $0x3F800000, v1;
	v17 =	vmul.f32 $5.000000000e-01, v17;
	v19 =	vmul.f32 $3.333333430e-01, v19  }
0x12e: {  	v16 =	vsel vm12, $0x3F800000, v1;
	v21 =	vmul.f32 $2.500000000e-01, v13;
	v23 =	vmul.f32 $2.000000030e-01, v20  }
0x12f: {  	s18 =	smov.u32 s1;
	s5 =	simm.s32 $0x2;
	v18 =	vsel vm10, $0x3F800000, v1;
	v14 =	vsel vm13, $0x3F800000, v1;
	v13 =	vld.idx.msk [tilespmem:v3+s29+$0x0], $0xffff;
	v20 =	vsub.f32 $1.000000000e+00, v16  }
.LBB2_7:
0x130: {  	p1 =	sne.s32 s5, $0x17F;
	v25 =	vld.idx.msk [tilespmem:v5+s29+$0x0], $0xffff;
	v26 =	vadd.f32 v18, v22;
	v27 =	vmax.f32 v17, v19;
	v23 =	vmax.f32 v21, v23  }
0x131: {  	v28 =	vsub.f32 $1.000000000e+00, v24;
	v18 =	vadd.f32 v24, v18;
	v23 =	vmax.f32 v27, v23  }
0x132: {  	v24 =	vadd.f32 v15, v26;
	v26 =	vsub.f32 $1.000000000e+00, v14;
	vm0 =	vge.f32 v21, v23  }
0x133: {  	v21 =	vadd.f32 v28, v22;
	vm1 =	vge.f32 v19, v23;
	v19 =	vsel vm0, $0x40000000, v2  }
0x134: {  	vm0 =	vge.f32 v17, v23;
	v22 =	vld.idx.msk [tilespmem:v3+s30+$0x0], $0xffff;
	v24 =	vsub.f32 $3.000000000e+00, v24;
	v17 =	vsel vm1, $0x3F800000, v19  }
0x135: {  	v15 =	vadd.f32 v16, v15;
	v20 =	vadd.f32 v20, v21;
	v19 =	vld.idx.msk [tilespmem:v5+s30+$0x0], $0xffff;
	v16 =	vsel vm0, $0x0, v17  }
0x136: {  	v18 =	vadd.f32 v26, v18;
	v17 =	vmax.f32 v13, v25;
	vm0 =	vle.f32 v24, v16  }
0x137: {  	v14 =	vadd.f32 v15, v14;
	v15 =	vsel vm0, v23, v9;
	vm0 =	vle.f32 v20, v16;
	v9 =	vmovc v13  }
0x138: {  	s2 =	sshrl.u32 s5, $0x2;
	v13 =	vadd.s32 s5, v0;
	v12 =	vsel vm0, v23, v12;
	vm0 =	vle.f32 v18, v16;
	[tilespmem:v7+s29+$0x0] =	vst.idx.msk $0xffff, v15  }
0x139: {  	s2 =	sand.u32 $0x70, s2;
	v13 =	vand.u32 $0xF, v13;
	v11 =	vsel vm0, v23, v11;
	vm0 =	vle.f32 v14, v16;
	[tilespmem:v6+s29+$0x0] =	vst.idx.msk $0xffff, v12  }
0x13a: {  	s7 =	sand.u32 $0x30, s5;
	v15 =	vmin.f32 v9, v25;
	v14 =	vor.u32 s2, v0;
	v10 =	vsel vm0, v23, v10;
	[tilespmem:v7+s30+$0x0] =	vst.idx.msk $0xffff, v11  }
0x13b: {  	v7 =	vor.u32 s7, v13;
	v11 =	vmax.f32 v22, v19;
	v13 =	vmin.f32 v22, v19;
	[tilespmem:v6+s30+$0x0] =	vst.idx.msk $0xffff, v10  }
0x13c: {  	v6 =	vshll.u32 v7, $0x1;
	v16 =	vmin.f32 v17, v11;
	v18 =	vmax.f32 v15, v13;
	[tilespmem:v8+s31+$0x0] =	vst.idx.msk $0xffff, v23  }
0x13d: {  	v17 =	vmax.f32 v17, v11;
	v12 =	vmovc v25;
	v8 =	vshll.u32 v14, $0x7;
	v23 =	vmax.f32 v16, v18;
	v20 =	vld.idx.msk [tilespmem:v4+s31+$0x0], $0xffff  }
0x13e: {  	v24 =	vshll.u32 v7, $0x7;
	v25 =	vor.u32 v8, v6;
	v21 =	vadd.f32 v23, v17;
	v11 =	vmovc v22;
	v10 =	vmovc v19  }
0x13f: {  	v14 =	vor.u32 v14, v24;
	v16 =	vmin.f32 v16, v18;
	v7 =	vmovc v3;
	v8 =	vor.u32 $0x1, v25;
	v3 =	vmovc v25  }
0x140: {  	vm0 =	vge.f32 v9, v11;
	vm1 =	vge.f32 v9, v10;
	v6 =	vmovc v5;
	v16 =	vadd.f32 v21, v16  }
0x141: {  	v13 =	vmin.f32 v15, v13;
	vm2 =	vge.f32 v12, v10;
	vm3 =	vge.f32 v11, v10;
	v5 =	vmovc v8  }
0x142: {  	vm4 =	vge.f32 v9, v12;
	v18 =	vsel vm0, $0x3F800000, v1;
	v13 =	vadd.f32 v16, v13;
	v8 =	vmovc v4;
	v4 =	vmovc v14  }
.Ltmp4:
0x143: {  	vm0 =	vge.f32 v12, v11;
	v14 =	vadd.f32 v17, v20;
	v19 =	vadd.f32 v21, v20;
	(pc) =	sbr.rel @p1 .LBB2_7-.Ltmp4, $4  }
0x144: {  	v15 =	vsel vm1, $0x3F800000, v1;
	v21 =	vadd.f32 v16, v20;
	v13 =	vadd.f32 v13, v20  }
0x145: {  	v16 =	vsel vm2, $0x3F800000, v1;
	v17 =	vmul.f32 $5.000000000e-01, v14;
	v19 =	vmul.f32 $3.333333430e-01, v19  }
0x146: {  	v14 =	vsel vm3, $0x3F800000, v1;
	v21 =	vmul.f32 $2.500000000e-01, v21;
	v23 =	vmul.f32 $2.000000030e-01, v13  }
0x147: {  	s5 =	sadd.s32 $0x1, s5;
	v22 =	vsel vm4, $0x3F800000, v1;
	v24 =	vsel vm0, $0x3F800000, v1;
	v20 =	vsub.f32 $1.000000000e+00, v16;
	v13 =	vld.idx.msk [tilespmem:v3+s29+$0x0], $0xffff  }
0x148: {  	_ =	sdelay $0x3  }
0x149: {  	v25 =	vld.idx.msk [tilespmem:v5+s29+$0x0], $0xffff;
	v26 =	vadd.f32 v18, v22;
	v27 =	vmax.f32 v17, v19;
	v28 =	vsub.f32 $1.000000000e+00, v24  }
0x14a: {  	v23 =	vmax.f32 v21, v23;
	v55 =	vadd.f32 v24, v18;
	v24 =	vld.idx.msk [tilespmem:v3+s30+$0x0], $0xffff;
	v56 =	vsub.f32 $1.000000000e+00, v14  }
0x14b: {  	v29 =	vld.idx.msk [tilespmem:v5+s30+$0x0], $0xffff;
	v62 =	vadd.f32 v16, v15;
	v23 =	vmax.f32 v27, v23;
	v26 =	vadd.f32 v15, v26  }
0x14c: {  	vm0 =	vge.f32 v21, v23;
	v57 =	vadd.f32 v28, v22;
	vm1 =	vge.f32 v19, v23  }
0x14d: {  	vm11 =	vge.f32 v17, v23;
	v18 =	vadd.f32 v56, v55;
	v58 =	vsel vm0, $0x40000000, v2  }
0x14e: {  	v36 =	vadd.f32 v62, v14;
	v59 =	vsub.f32 $3.000000000e+00, v26;
	v60 =	vsel vm1, $0x3F800000, v58  }
0x14f: {  	v61 =	vadd.f32 v20, v57;
	v63 =	vsel vm11, $0x0, v60;
	v30 =	vmax.f32 v13, v25  }
0x150: {  	v31 =	vmin.f32 v13, v25;
	v32 =	vmax.f32 v24, v29;
	v33 =	vmin.f32 v24, v29  }
0x151: {  	vm15 =	vge.f32 v13, v24;
	vm8 =	vge.f32 v13, v29;
	vm2 =	vge.f32 v25, v29  }
0x152: {  	vm3 =	vge.f32 v24, v29;
	v34 =	vmin.f32 v30, v32;
	v35 =	vmax.f32 v31, v33  }
0x153: {  	vm4 =	vge.f32 v13, v25;
	v37 =	vmax.f32 v30, v32;
	v38 =	vmax.f32 v34, v35  }
0x154: {  	v39 =	vld.idx.msk [tilespmem:v4+s31+$0x0], $0xffff;
	vm9 =	vge.f32 v25, v24;
	vm0 =	vle.f32 v59, v63;
	v17 =	vadd.f32 v38, v37  }
0x155: {  	vm12 =	vle.f32 v61, v63;
	vm13 =	vle.f32 v18, v63;
	v40 =	vmin.f32 v34, v35  }
0x156: {  	vm14 =	vle.f32 v36, v63;
	v42 =	vmin.f32 v31, v33;
	v41 =	vadd.f32 v17, v40  }
0x157: {  	v43 =	vsel vm15, $0x3F800000, v1;
	v44 =	vsel vm8, $0x3F800000, v1;
	v45 =	vsel vm2, $0x3F800000, v1  }
0x158: {  	v46 =	vsel vm4, $0x3F800000, v1;
	v47 =	vsel vm9, $0x3F800000, v1;
	v16 =	vadd.f32 v41, v42  }
0x159: {  	v51 =	vsel vm3, $0x3F800000, v1;
	v15 =	vadd.f32 v37, v39;
	v17 =	vadd.f32 v17, v39  }
0x15a: {  	v9 =	vsel vm0, v23, v9;
	v14 =	vadd.f32 v41, v39;
	v16 =	vadd.f32 v16, v39  }
0x15b: {  	v12 =	vsel vm12, v23, v12;
	v15 =	vmul.f32 $5.000000000e-01, v15;
	v17 =	vmul.f32 $3.333333430e-01, v17  }
0x15c: {  	v11 =	vsel vm13, v23, v11;
	v14 =	vmul.f32 $2.500000000e-01, v14;
	v16 =	vmul.f32 $2.000000030e-01, v16  }
0x15d: {  	v10 =	vsel vm14, v23, v10;
	v49 =	vsub.f32 $1.000000000e+00, v45;
	v50 =	vadd.f32 v43, v46  }
0x15e: {  	v18 =	vadd.f32 v47, v43;
	v48 =	vmax.f32 v15, v17;
	v16 =	vmax.f32 v14, v16  }
0x15f: {  	v22 =	vsub.f32 $1.000000000e+00, v47;
	v53 =	vsub.f32 $1.000000000e+00, v51;
	v16 =	vmax.f32 v48, v16  }
0x160: {  	v59 =	vadd.f32 v45, v44;
	v52 =	vadd.f32 v44, v50;
	vm10 =	vge.f32 v14, v16  }
0x161: {  	[tilespmem:v7+s29+$0x0] =	vst.idx.msk $0xffff, v9;
	v54 =	vadd.f32 v22, v46;
	vm11 =	vge.f32 v17, v16;
	v55 =	vsel vm10, $0x40000000, v2  }
0x162: {  	[tilespmem:v6+s29+$0x0] =	vst.idx.msk $0xffff, v12;
	v56 =	vsub.f32 $3.000000000e+00, v52;
	vm12 =	vge.f32 v15, v16;
	v57 =	vsel vm11, $0x3F800000, v55  }
0x163: {  	v60 =	vadd.f32 v53, v18;
	[tilespmem:v7+s30+$0x0] =	vst.idx.msk $0xffff, v11;
	v58 =	vadd.f32 v49, v54;
	v9 =	vsel vm12, $0x0, v57  }
0x164: {  	v61 =	vadd.f32 v59, v51;
	[tilespmem:v6+s30+$0x0] =	vst.idx.msk $0xffff, v10;
	vm0 =	vle.f32 v56, v9  }
0x165: {  	[tilespmem:v8+s31+$0x0] =	vst.idx.msk $0xffff, v23;
	vm13 =	vle.f32 v58, v9;
	v62 =	vsel vm0, v16, v13  }
0x166: {  	vm14 =	vle.f32 v60, v9;
	v6 =	vsel vm13, v16, v25;
	[tilespmem:v3+s29+$0x0] =	vst.idx.msk $0xffff, v62  }
0x167: {  	vm15 =	vle.f32 v61, v9;
	v8 =	vsel vm14, v16, v24;
	[tilespmem:v5+s29+$0x0] =	vst.idx.msk $0xffff, v6  }
0x168: {  	v63 =	vsel vm15, v16, v29;
	[tilespmem:v3+s30+$0x0] =	vst.idx.msk $0xffff, v8  }
0x169: {  	s1 =	rddreg [dreg:$0x2];
	[tilespmem:v5+s30+$0x0] =	vst.idx.msk $0xffff, v63  }
0x16a: {  	s2 =	sadd.s32 s1, s16;
	[tilespmem:v4+s31+$0x0] =	vst.idx.msk $0xffff, v16  }
0x16b: {  	[hbm4b:s2+s20] =	stream.strided.scatter [tilespmem:s29], [sflag:$0x6], $0x3000, s21, s20, $0x38;
	[tilespmem:$0x18000] =	vst v63  }
0x16c: {  	s16 =	sadd.s32 s1, s13  }
0x16d: {  	[hbm4b:s16+s20] =	stream.strided.scatter [tilespmem:s30], [sflag:$0x6], $0x3000, s21, s20, $0x38;
	[tilespmem:$0x18000] =	vst v63  }
0x16e: {  	s19 =	sadd.s32 s9, s14  }
0x16f: {  	[hbm4b:s19+s6] =	stream.linear.scatter [tilespmem:s31], [sflag:$0x6], $0x2000, $0x38;
	[tilespmem:$0x18000] =	vst v63  }
0x170: {  	_ =	swait.ge [sflag:s12], $0x3000  }
0x171: {  	[sflag:s12] =	ssyncset.done $0x0  }
0x172: {  	[sflag:s12] =	ssyncadd.s32 $0xFFFFD000  }
0x173: {  	_ =	swait.ge [sflag:s12], $0x3000  }
.Ltmp5:
0x174: {  	[sflag:s12] =	ssyncset.done $0x0;
	(pc) =	sbr.rel @p0 .LBB2_10-.Ltmp5, $4  }
0x175: {  	[sflag:s12] =	ssyncadd.s32 $0xFFFFD000  }
0x176: {  	_ =	swait.ge [sflag:s12], $0x2000  }
0x177: {  	[sflag:s12] =	ssyncset.done $0x0  }
0x178: {  	s16 =	smov.u32 s9;
	[sflag:s12] =	ssyncadd.s32 $0xFFFFE000  }
0x179: {  	s17 =	sadd.s32 $0x1, s17;
	s2 =	rddreg [dreg:$0x5]  }
0x17a: {  	s2 =	sadd.s32 s17, s2  }
0x17b: {  	s5 =	smul.u32 $0x12000, s2;
	_ =	sdelay $0x1  }
0x17c: {  	s1 =	rddreg [dreg:$0x0];
	s2 =	smul.u32 $0x6000, s2;
	s7 =	sadd.s32 s4, s5  }
0x17d: {  	s15 =	rddreg [dreg:$0xe];
	s5 =	sadd.s32 s5, s10;
	s7 =	sshrl.u32 s7, $0x3  }
0x17e: {  	s2 =	sadd.s32 s15, s2;
	s5 =	sshrl.u32 s5, $0x3;
	s7 =	sadd.s32 s7, s1  }
.Ltmp6:
0x17f: {  	s5 =	sadd.s32 s5, s1;
	s7 =	sadd.s32 $0x80, s7;
	(pc) =	sbr.rel .LBB2_2-.Ltmp6, $4  }
0x180: {  	[tilespmem:s24], [sflag:$0x2] =	stream.strided.gather [hbm4b:s7+s20], $0x3000, s21, s20, $0x38;
	[tilespmem:$0x18000] =	vst v63  }
0x181: {  	s19 =	rddreg [dreg:$0x1];
	s2 =	sshrl.u32 s2, $0x3;
	s5 =	sadd.s32 $0x80, s5  }
0x182: {  	[tilespmem:s25], [sflag:$0x2] =	stream.strided.gather [hbm4b:s5+s20], $0x3000, s21, s20, $0x38;
	[tilespmem:$0x18000] =	vst v63  }
0x183: {  	s8 =	smov.u32 s4;
	s5 =	sadd.s32 s19, s2  }
.LBB2_11:
0x184: {  	_ =	sfence.sel $0x180000  }
0x185: {  	[bflag:$0x0] =	sbarrier.arrive $0xFFFF  }
0x186: {  	_ =	strace $0x90000047  }
0x187: {  	s0 =	stileid.u32;
	[bflag:$0x2] =	sbarrier.arrive $0xFFFF  }
0x188: {  	p0 =	sne.s32 s0, $0x0;
	s0 =	rddreg [dreg:$0x4]  }
0x189: {  	s0 =	sadd.s32 @!p0 $0x100000, s0  }
0x18a: {  	[sflag:s0] =	ssyncadd.tile.s32 @!p0 $0x1;
	_ =	shalt  }
.Lfunc_end2:
_tile_overlayer_lowered:
.L_overlay_start_2:
0x18b: {  	(tag) =	ssettag $0x2  }
0x18c: {  	s0 =	rddreg [dreg:$0x0];
	s2 =	stileid.u32  }
0x18d: {  	s1 =	rddreg [dreg:$0x1];
	p0 =	sne.s32 s2, $0x0  }
0x18e: {  	s3 =	rddreg [dreg:$0x2];
	[bflag:$0x3] =	sbarrier.arrive $0xFFFF;
	s2 =	simm.s32 @!p0 $0x1C07  }
0x18f: {  	[timem:s3], [sflag:s2] =	dma.local @!p0 [hbm:s0], s1  }
0x190: {  	s0 =	simm.s32 @!p0 $0x7  }
0x191: {  	_ =	swait.ge @!p0 [sflag:s0], s1  }
0x192: {  	s1 =	ssub.s32 @!p0 $0x0, s1;
	[sflag:s0] =	ssyncset.done @!p0 $0x0  }
0x193: {  	[sflag:s0] =	ssyncadd.s32 @!p0 s1  }
0x194: {  	[bflag:$0x3] =	sbarrier.arrive $0xFFFF  }
0x195: {  	_ =	shalt  }

</sc_bundles>
